<compile_context>
chip_gen: v7x
topology: tpu7x:2x2x1
jax: 0.10.2.dev20260603
libtpu: 0.0.44.dev20260713+nightly
codegen_flags: <defaults>
</compile_context>

<pallas_src>
import dataclasses
import functools

import jax
import jax.numpy as jnp
from jax import lax
from jax.experimental import pallas as pl
from jax.experimental.pallas import tpu as pltpu
from jax.experimental.pallas import tpu_sc as plsc

N_NODES = 10000
N_EDGES = 320000
IN_CH = 128
HID_CH = 64

NC = 2
NS = 16
NW = NC * NS
L = 16

E_T = N_EDGES // NW
CHUNK = 128
FT = E_T // CHUNK
TAIL = E_T - FT * CHUNK
NBUF = 6
PAD_N = 10240
NR = PAD_N // 128
RPT = PAD_N // NS
RB = 1024
CB = 2048


def _mesh():
    return plsc.VectorSubcoreMesh(core_axis_name="c", subcore_axis_name="s")


def _sc_params():
    cp = pltpu.CompilerParams()
    fields = pltpu.CompilerParams.__dataclass_fields__
    if "needs_layout_passes" in fields:
        cp = dataclasses.replace(cp, needs_layout_passes=False)
    if "use_tc_tiling_on_sc" in fields:
        cp = dataclasses.replace(cp, use_tc_tiling_on_sc=False)
    return cp


def _deg_partials(ei):

    @functools.partial(
        pl.kernel,
        out_type=jax.ShapeDtypeStruct((NW, PAD_N), jnp.float32),
        mesh=_mesh(),
        compiler_params=_sc_params(),
        scratch_types=[
            pltpu.VMEM((E_T,), jnp.int32),
            pltpu.VMEM((PAD_N,), jnp.float32),
        ],
    )
    def k(ei_hbm, out_hbm, dst_v, acc_v):
        wid = lax.axis_index("s") * NC + lax.axis_index("c")
        pltpu.sync_copy(ei_hbm.at[1, pl.ds(wid * E_T, E_T)], dst_v)
        zeros = jnp.zeros((L,), jnp.float32)
        ones = jnp.ones((L,), jnp.float32)

        @pl.loop(0, PAD_N, step=L)
        def _(i):
            acc_v[pl.ds(i, L)] = zeros

        @pl.loop(0, E_T, step=L)
        def _(j):
            idx = dst_v[pl.ds(j, L)]
            plsc.addupdate_scatter(acc_v, [idx], ones)

        pltpu.sync_copy(acc_v, out_hbm.at[wid])

    return k(ei)


def _agg1_partials(hs, ei):

    @functools.partial(
        pl.kernel,
        out_type=jax.ShapeDtypeStruct((NC, PAD_N, HID_CH), jnp.float32),
        mesh=_mesh(),
        compiler_params=_sc_params(),
        scratch_types=[
            pltpu.VMEM((E_T,), jnp.int32),
            pltpu.VMEM((E_T,), jnp.int32),
            pltpu.VMEM((NBUF, CHUNK, HID_CH), jnp.float32),
            pltpu.VMEM_SHARED((PAD_N, HID_CH), jnp.float32),
        ]
        + [pltpu.SemaphoreType.DMA] * NBUF,
    )
    def k(hs_hbm, ei_hbm, out_hbm, src_v, dst_v, rows_v, acc_sh, *gsem):
        cid = lax.axis_index("c")
        sid = lax.axis_index("s")
        wid = sid * NC + cid
        pltpu.sync_copy(ei_hbm.at[0, pl.ds(wid * E_T, E_T)], src_v)
        pltpu.sync_copy(ei_hbm.at[1, pl.ds(wid * E_T, E_T)], dst_v)

        zeros = jnp.zeros((L,), jnp.float32)

        @pl.loop(0, CHUNK)
        def _(r):
            @pl.loop(0, HID_CH, step=L)
            def _(c):
                rows_v[0, r, pl.ds(c, L)] = zeros

        @pl.loop(0, RPT, step=CHUNK)
        def _(r0):
            pltpu.sync_copy(rows_v.at[0], acc_sh.at[pl.ds(sid * RPT + r0, CHUNK)])

        plsc.subcore_barrier()

        for b in range(NBUF):
            pltpu.async_copy(
                hs_hbm.at[src_v.at[pl.ds(b * CHUNK, CHUNK)]], rows_v.at[b], gsem[b]
            )

        @pl.loop(0, FT, step=NBUF)
        def _(c):
            for b in range(NBUF):
                idx = c + b
                pltpu.make_async_copy(
                    hs_hbm.at[src_v.at[pl.ds(idx * CHUNK, CHUNK)]],
                    rows_v.at[b],
                    gsem[b],
                ).wait()
                pltpu.sync_copy(
                    rows_v.at[b],
                    acc_sh.at[dst_v.at[pl.ds(idx * CHUNK, CHUNK)]],
                    add=True,
                )

                @pl.when(idx + NBUF < FT)
                def _():
                    pltpu.async_copy(
                        hs_hbm.at[src_v.at[pl.ds((idx + NBUF) * CHUNK, CHUNK)]],
                        rows_v.at[b],
                        gsem[b],
                    )

        tail_rows = rows_v.at[0, pl.ds(0, TAIL)]
        pltpu.async_copy(
            hs_hbm.at[src_v.at[pl.ds(FT * CHUNK, TAIL)]], tail_rows, gsem[0]
        ).wait()
        pltpu.sync_copy(
            tail_rows, acc_sh.at[dst_v.at[pl.ds(FT * CHUNK, TAIL)]], add=True
        )

        plsc.subcore_barrier()

        pltpu.sync_copy(
            acc_sh.at[pl.ds(sid * RPT, RPT)],
            out_hbm.at[cid, pl.ds(sid * RPT, RPT)],
        )

    return k(hs, ei)


def _agg2_partials(gs2, ei):

    @functools.partial(
        pl.kernel,
        out_type=jax.ShapeDtypeStruct((NW, PAD_N), jnp.float32),
        mesh=_mesh(),
        compiler_params=_sc_params(),
        scratch_types=[
            pltpu.VMEM((E_T,), jnp.int32),
            pltpu.VMEM((E_T,), jnp.int32),
            pltpu.VMEM((NR, 128), jnp.float32),
            pltpu.VMEM((PAD_N,), jnp.float32),
        ],
    )
    def k(gs_hbm, ei_hbm, out_hbm, src_v, dst_v, tab_v, acc_v):
        wid = lax.axis_index("s") * NC + lax.axis_index("c")
        pltpu.sync_copy(ei_hbm.at[0, pl.ds(wid * E_T, E_T)], src_v)
        pltpu.sync_copy(ei_hbm.at[1, pl.ds(wid * E_T, E_T)], dst_v)
        pltpu.sync_copy(gs_hbm, tab_v)
        zeros = jnp.zeros((L,), jnp.float32)
        low = jnp.full((L,), 127, jnp.int32)

        @pl.loop(0, PAD_N, step=L)
        def _(i):
            acc_v[pl.ds(i, L)] = zeros

        @pl.loop(0, E_T, step=L)
        def _(j):
            si = src_v[pl.ds(j, L)]
            di = dst_v[pl.ds(j, L)]
            row = lax.shift_right_logical(si, 7)
            col = lax.bitwise_and(si, low)
            vals = plsc.load_gather(tab_v, [row, col])
            plsc.addupdate_scatter(acc_v, [di], vals)

        pltpu.sync_copy(acc_v, out_hbm.at[wid])

    return k(gs2, ei)


def _tc_scale_matmul(deg_part, x_pad, W1):

    def body(dp_ref, x_ref, w1_ref, hs_ref, dis_ref):
        i = pl.program_id(0)
        deg = jnp.sum(dp_ref[...], axis=0)[:, None] + 1.0
        disv = lax.rsqrt(deg)
        rid = i * RB + lax.broadcasted_iota(jnp.int32, (RB, 1), 0)
        disv = jnp.where(rid < N_NODES, disv, 0.0)
        dis_ref[...] = disv.reshape(RB // 128, 128)
        h = jnp.dot(x_ref[...], w1_ref[...], preferred_element_type=jnp.float32)
        hs_ref[...] = h * disv

    return pl.pallas_call(
        body,
        grid=(PAD_N // RB,),
        in_specs=[
            pl.BlockSpec((NW, RB), lambda i: (0, i)),
            pl.BlockSpec((RB, IN_CH), lambda i: (i, 0)),
            pl.BlockSpec((IN_CH, HID_CH), lambda i: (0, 0)),
        ],
        out_specs=[
            pl.BlockSpec((RB, HID_CH), lambda i: (i, 0)),
            pl.BlockSpec((RB // 128, 128), lambda i: (i, 0)),
        ],
        out_shape=[
            jax.ShapeDtypeStruct((PAD_N, HID_CH), jnp.float32),
            jax.ShapeDtypeStruct((NR, 128), jnp.float32),
        ],
    )(deg_part, x_pad, W1)


def _tc_layer2_scalar(acc1, hs, deg_part, b1_row, w2_row):

    def body(acc_ref, hs_ref, dp_ref, b1_ref, w2_ref, gs_ref):
        i = pl.program_id(0)
        deg = jnp.sum(dp_ref[...], axis=0)[:, None] + 1.0
        disv = lax.rsqrt(deg)
        rid = i * RB + lax.broadcasted_iota(jnp.int32, (RB, 1), 0)
        disv = jnp.where(rid < N_NODES, disv, 0.0)
        s = acc_ref[0] + acc_ref[1] + hs_ref[...]
        pre = s * disv + b1_ref[...]
        h2 = jnp.maximum(pre, 0.0)
        g = jnp.sum(h2 * w2_ref[...], axis=1, keepdims=True)
        gs_ref[...] = (g * disv).reshape(RB // 128, 128)

    return pl.pallas_call(
        body,
        grid=(PAD_N // RB,),
        in_specs=[
            pl.BlockSpec((NC, RB, HID_CH), lambda i: (0, i, 0)),
            pl.BlockSpec((RB, HID_CH), lambda i: (i, 0)),
            pl.BlockSpec((NW, RB), lambda i: (0, i)),
            pl.BlockSpec((1, HID_CH), lambda i: (0, 0)),
            pl.BlockSpec((1, HID_CH), lambda i: (0, 0)),
        ],
        out_specs=pl.BlockSpec((RB // 128, 128), lambda i: (i, 0)),
        out_shape=jax.ShapeDtypeStruct((NR, 128), jnp.float32),
    )(acc1, hs, deg_part, b1_row, w2_row)


def _tc_final(acc2, gs2, dis2, b2_11):

    def body(a2_ref, gs_ref, dis_ref, b2_ref, o_ref):
        a2 = jnp.sum(a2_ref[...], axis=0).reshape(CB // 128, 128)
        o_ref[...] = jax.nn.sigmoid(
            (a2 + gs_ref[...]) * dis_ref[...] + b2_ref[...]
        )

    return pl.pallas_call(
        body,
        grid=(PAD_N // CB,),
        in_specs=[
            pl.BlockSpec((NW, CB), lambda i: (0, i)),
            pl.BlockSpec((CB // 128, 128), lambda i: (i, 0)),
            pl.BlockSpec((CB // 128, 128), lambda i: (i, 0)),
            pl.BlockSpec((1, 1), lambda i: (0, 0)),
        ],
        out_specs=pl.BlockSpec((CB // 128, 128), lambda i: (i, 0)),
        out_shape=jax.ShapeDtypeStruct((NR, 128), jnp.float32),
    )(acc2, gs2, dis2, b2_11)


def kernel(x, edge_index, W1, b1, W2, b2):
    ei = edge_index.astype(jnp.int32)
    x_pad = jnp.pad(x, ((0, PAD_N - N_NODES), (0, 0)))

    deg_part = _deg_partials(ei)
    hs, dis2 = _tc_scale_matmul(deg_part, x_pad, W1)
    acc1 = _agg1_partials(hs, ei)
    gs2 = _tc_layer2_scalar(
        acc1, hs, deg_part, b1.reshape(1, HID_CH), W2.reshape(1, HID_CH)
    )
    acc2 = _agg2_partials(gs2, ei)
    out = _tc_final(acc2, gs2, dis2, b2.reshape(1, 1))
    return out.reshape(PAD_N, 1)[:N_NODES]

# --- scband reference (transcript-rebuilt; emitter-appended) ---
"""Pipeline reference for scband-gcnmodel-58798102282556 (READ-ONLY COPY).

The authoritative reference and input builder live on the scoring server;
editing this copy changes nothing except your own understanding.
"""

import jax, jax.numpy as jnp
import numpy as np

N_NODES = 10000
N_EDGES = 320000
IN_CH = 128
HID_CH = 64
OUT_CH = 1


def setup_inputs(seed: int = 0) -> dict:
    key = jax.random.key(seed)
    k1, k2, k3, k4, k5, k6 = jax.random.split(key, 6)
    x = jax.random.normal(k1, (N_NODES, IN_CH), dtype=jnp.float32)
    edge_index = jax.random.randint(k2, (2, N_EDGES), 0, N_NODES, dtype=jnp.int64)
    # GCNConv weights (glorot-ish init) and biases
    W1 = jax.random.normal(k3, (IN_CH, HID_CH), dtype=jnp.float32) * (1.0 / np.sqrt(IN_CH))
    b1 = jnp.zeros((HID_CH,), dtype=jnp.float32)
    W2 = jax.random.normal(k4, (HID_CH, OUT_CH), dtype=jnp.float32) * (1.0 / np.sqrt(HID_CH))
    b2 = jnp.zeros((OUT_CH,), dtype=jnp.float32)
    return {"x": x, "edge_index": edge_index, "W1": W1, "b1": b1, "W2": W2, "b2": b2}


def gcn_conv(x, edge_index, W, b, n_nodes):
    # linear transform
    h = x @ W
    src = edge_index[0]
    dst = edge_index[1]
    # add self-loops (PyG GCNConv default)
    loop = jnp.arange(n_nodes, dtype=edge_index.dtype)
    src = jnp.concatenate([src, loop])
    dst = jnp.concatenate([dst, loop])
    # symmetric normalization with unit edge weights
    deg = jnp.zeros((n_nodes,), dtype=h.dtype).at[dst].add(1.0)
    deg_inv_sqrt = jnp.where(deg > 0, 1.0 / jnp.sqrt(deg), 0.0)
    norm = deg_inv_sqrt[src] * deg_inv_sqrt[dst]
    # message + scatter-add aggregation at dst
    msg = h[src] * norm[:, None]
    out = jnp.zeros((n_nodes, h.shape[1]), dtype=h.dtype).at[dst].add(msg)
    return out + b


def reference(x, edge_index, W1, b1, W2, b2):
    h = gcn_conv(x, edge_index, W1, b1, N_NODES)
    h = jax.nn.relu(h)
    # dropout: identity in eval mode (training=False)
    out = gcn_conv(h, edge_index, W2, b2, N_NODES)
    return jax.nn.sigmoid(out)

if __name__ == "__main__":
    import jax
    _d = setup_inputs()
    print(jax.jit(kernel)(*tuple(_d.values())))

</pallas_src>

<mosaic_0001>
#map = affine_map<(d0, d1) -> (0, 0)>
module attributes {stable_mosaic.version = 14 : i64} {
  func.func @k(%arg0: i32, %arg1: i32, %arg2: memref<80x128xf32, #tpu.memory_space<hbm>>, %arg3: memref<2x320000xi32, #tpu.memory_space<hbm>>, %arg4: memref<32x10240xf32, #tpu.memory_space<hbm>>, %arg5: memref<10000xi32, #tpu.memory_space<vmem>>, %arg6: memref<10000xi32, #tpu.memory_space<vmem>>, %arg7: memref<80x128xf32, #tpu.memory_space<vmem>>, %arg8: memref<10240xf32, #tpu.memory_space<vmem>>) attributes {dimension_semantics = [#tpu.dimension_semantics<core_parallel>, #tpu.dimension_semantics<subcore_parallel>], iteration_bounds = array<i64: 2, 16>, scalar_prefetch = 0 : i64, scratch_operands = 4 : i64, tpu.core_type = #tpu.core_type<sc_vector_subcore>, window_params = [{transform_indices = #map}, {transform_indices = #map}, {transform_indices = #map}]} {
    %mul3A = arith.constant 2 : i32
    %mul3A_0 = arith.muli %arg1, %mul3A : i32
    %add3A = arith.addi %mul3A_0, %arg0 : i32
    %mul3A_1 = arith.constant 10000 : i32
    %mul3A_2 = arith.muli %add3A, %mul3A_1 : i32
    %run_scoped3A = arith.constant 0 : i32
    "tpu.region"() ({
      %run_scoped3A_18 = tpu.sem_alloc : memref<!tpu.dma_semaphore, #tpu.memory_space<semaphore_mem>>
      %dma_start3A = tpu.memref_slice %arg3[%run_scoped3A, %mul3A_2] : memref<2x320000xi32, #tpu.memory_space<hbm>> -> memref<1x10000xi32, #tpu.memory_space<hbm>>
      %dma_start3A_19 = tpu.memref_squeeze %dma_start3A : memref<1x10000xi32, #tpu.memory_space<hbm>> -> memref<10000xi32, #tpu.memory_space<hbm>>
      %dma_start3A_20 = tpu.memref_slice %arg3[%run_scoped3A, %mul3A_2] : memref<2x320000xi32, #tpu.memory_space<hbm>> -> memref<1x10000xi32, #tpu.memory_space<hbm>>
      %dma_start3A_21 = tpu.memref_squeeze %dma_start3A_20 : memref<1x10000xi32, #tpu.memory_space<hbm>> -> memref<10000xi32, #tpu.memory_space<hbm>>
      tpu.enqueue_dma source(%dma_start3A_21 : memref<10000xi32, #tpu.memory_space<hbm>>) target(%arg5 : memref<10000xi32, #tpu.memory_space<vmem>>) target_semaphore(%run_scoped3A_18 : memref<!tpu.dma_semaphore, #tpu.memory_space<semaphore_mem>>)
      %dma_wait3A = tpu.memref_slice %arg3[%run_scoped3A, %mul3A_2] : memref<2x320000xi32, #tpu.memory_space<hbm>> -> memref<1x10000xi32, #tpu.memory_space<hbm>>
      %dma_wait3A_22 = tpu.memref_squeeze %dma_wait3A : memref<1x10000xi32, #tpu.memory_space<hbm>> -> memref<10000xi32, #tpu.memory_space<hbm>>
      %dma_wait3A_23 = tpu.memref_slice %arg3[%run_scoped3A, %mul3A_2] : memref<2x320000xi32, #tpu.memory_space<hbm>> -> memref<1x10000xi32, #tpu.memory_space<hbm>>
      %dma_wait3A_24 = tpu.memref_squeeze %dma_wait3A_23 : memref<1x10000xi32, #tpu.memory_space<hbm>> -> memref<10000xi32, #tpu.memory_space<hbm>>
      tpu.wait_dma2 semaphore(%run_scoped3A_18 : memref<!tpu.dma_semaphore, #tpu.memory_space<semaphore_mem>>) src(%dma_wait3A_24 : memref<10000xi32, #tpu.memory_space<hbm>>) dst(%arg5 : memref<10000xi32, #tpu.memory_space<vmem>>)
      tpu.yield
    }) : () -> ()
    %mul3A_3 = arith.constant 10000 : i32
    %mul3A_4 = arith.muli %add3A, %mul3A_3 : i32
    %run_scoped3A_5 = arith.constant 1 : i32
    "tpu.region"() ({
      %run_scoped3A_18 = tpu.sem_alloc : memref<!tpu.dma_semaphore, #tpu.memory_space<semaphore_mem>>
      %dma_start3A = tpu.memref_slice %arg3[%run_scoped3A_5, %mul3A_4] : memref<2x320000xi32, #tpu.memory_space<hbm>> -> memref<1x10000xi32, #tpu.memory_space<hbm>>
      %dma_start3A_19 = tpu.memref_squeeze %dma_start3A : memref<1x10000xi32, #tpu.memory_space<hbm>> -> memref<10000xi32, #tpu.memory_space<hbm>>
      %dma_start3A_20 = tpu.memref_slice %arg3[%run_scoped3A_5, %mul3A_4] : memref<2x320000xi32, #tpu.memory_space<hbm>> -> memref<1x10000xi32, #tpu.memory_space<hbm>>
      %dma_start3A_21 = tpu.memref_squeeze %dma_start3A_20 : memref<1x10000xi32, #tpu.memory_space<hbm>> -> memref<10000xi32, #tpu.memory_space<hbm>>
      tpu.enqueue_dma source(%dma_start3A_21 : memref<10000xi32, #tpu.memory_space<hbm>>) target(%arg6 : memref<10000xi32, #tpu.memory_space<vmem>>) target_semaphore(%run_scoped3A_18 : memref<!tpu.dma_semaphore, #tpu.memory_space<semaphore_mem>>)
      %dma_wait3A = tpu.memref_slice %arg3[%run_scoped3A_5, %mul3A_4] : memref<2x320000xi32, #tpu.memory_space<hbm>> -> memref<1x10000xi32, #tpu.memory_space<hbm>>
      %dma_wait3A_22 = tpu.memref_squeeze %dma_wait3A : memref<1x10000xi32, #tpu.memory_space<hbm>> -> memref<10000xi32, #tpu.memory_space<hbm>>
      %dma_wait3A_23 = tpu.memref_slice %arg3[%run_scoped3A_5, %mul3A_4] : memref<2x320000xi32, #tpu.memory_space<hbm>> -> memref<1x10000xi32, #tpu.memory_space<hbm>>
      %dma_wait3A_24 = tpu.memref_squeeze %dma_wait3A_23 : memref<1x10000xi32, #tpu.memory_space<hbm>> -> memref<10000xi32, #tpu.memory_space<hbm>>
      tpu.wait_dma2 semaphore(%run_scoped3A_18 : memref<!tpu.dma_semaphore, #tpu.memory_space<semaphore_mem>>) src(%dma_wait3A_24 : memref<10000xi32, #tpu.memory_space<hbm>>) dst(%arg6 : memref<10000xi32, #tpu.memory_space<vmem>>)
      tpu.yield
    }) : () -> ()
    "tpu.region"() ({
      %run_scoped3A_18 = tpu.sem_alloc : memref<!tpu.dma_semaphore, #tpu.memory_space<semaphore_mem>>
      tpu.enqueue_dma source(%arg2 : memref<80x128xf32, #tpu.memory_space<hbm>>) target(%arg7 : memref<80x128xf32, #tpu.memory_space<vmem>>) target_semaphore(%run_scoped3A_18 : memref<!tpu.dma_semaphore, #tpu.memory_space<semaphore_mem>>)
      tpu.wait_dma2 semaphore(%run_scoped3A_18 : memref<!tpu.dma_semaphore, #tpu.memory_space<semaphore_mem>>) src(%arg2 : memref<80x128xf32, #tpu.memory_space<hbm>>) dst(%arg7 : memref<80x128xf32, #tpu.memory_space<vmem>>)
      tpu.yield
    }) : () -> ()
    %broadcast_in_dim3A = arith.constant 0.000000e+00 : f32
    %broadcast_in_dim3A_6 = vector.broadcast %broadcast_in_dim3A : f32 to vector<16xf32>
    %broadcast_in_dim3A_7 = arith.constant 127 : i32
    %broadcast_in_dim3A_8 = vector.broadcast %broadcast_in_dim3A_7 : i32 to vector<16xi32>
    %scan3A = arith.constant 0 : i32
    %scan3A_9 = arith.constant 640 : i32
    %scan3A_10 = arith.addi %scan3A, %scan3A_9 : i32
    %scan3A_11 = arith.constant 1 : i32
    scf.for %scan3A_18 = %scan3A to %scan3A_10 step %scan3A_11  : i32 {
      %mul3A_19 = arith.constant 16 : i32
      %mul3A_20 = arith.muli %scan3A_18, %mul3A_19 : i32
      %add3A_21 = arith.constant 0 : i32
      %add3A_22 = arith.addi %add3A_21, %mul3A_20 : i32
      %swap3A = arith.index_cast %add3A_22 : i32 to index
      %swap3A_23 = tpu.vector_load %arg8[%swap3A] {strides = array<i32>} : memref<10240xf32, #tpu.memory_space<vmem>>, vector<16xf32>,
      tpu.vector_store %arg8[%swap3A], %broadcast_in_dim3A_6 {strides = array<i32>} : memref<10240xf32, #tpu.memory_space<vmem>>, vector<16xf32>,
    }
    %scan3A_12 = arith.constant 640 : i32
    %scan3A_13 = arith.constant 0 : i32
    %scan3A_14 = arith.constant 625 : i32
    %scan3A_15 = arith.addi %scan3A_13, %scan3A_14 : i32
    %scan3A_16 = arith.constant 1 : i32
    scf.for %scan3A_18 = %scan3A_13 to %scan3A_15 step %scan3A_16  : i32 {
      %mul3A_19 = arith.constant 16 : i32
      %mul3A_20 = arith.muli %scan3A_18, %mul3A_19 : i32
      %add3A_21 = arith.constant 0 : i32
      %add3A_22 = arith.addi %add3A_21, %mul3A_20 : i32
      %get3A = arith.index_cast %add3A_22 : i32 to index
      %get3A_23 = tpu.vector_load %arg5[%get3A] {strides = array<i32>} : memref<10000xi32, #tpu.memory_space<vmem>>, vector<16xi32>,
      %get3A_24 = arith.index_cast %add3A_22 : i32 to index
      %get3A_25 = tpu.vector_load %arg6[%get3A_24] {strides = array<i32>} : memref<10000xi32, #tpu.memory_space<vmem>>, vector<16xi32>,
      %shift_right_logical3A = arith.constant 7 : i32
      %shift_right_logical3A_26 = vector.broadcast %shift_right_logical3A : i32 to vector<16xi32>
      %shift_right_logical3A_27 = arith.shrui %get3A_23, %shift_right_logical3A_26 : vector<16xi32>
      %and3A = arith.andi %get3A_23, %broadcast_in_dim3A_8 : vector<16xi32>
      %gather3A = tpu.vector_load_idx %arg7[%shift_right_logical3A_27, %and3A] : memref<80x128xf32, #tpu.memory_space<vmem>>[vector<16xi32>, vector<16xi32>], vector<16xf32>,
      tpu.vector_store_idx %arg8[%get3A_25], %gather3A {add = true} : memref<10240xf32, #tpu.memory_space<vmem>>[vector<16xi32>], vector<16xf32>,
    }
    %scan3A_17 = arith.constant 625 : i32
    "tpu.region"() ({
      %run_scoped3A_18 = tpu.sem_alloc : memref<!tpu.dma_semaphore, #tpu.memory_space<semaphore_mem>>
      %dma_start3A = arith.constant 0 : i32
      %dma_start3A_19 = tpu.memref_slice %arg4[%add3A, %dma_start3A] : memref<32x10240xf32, #tpu.memory_space<hbm>> -> memref<1x10240xf32, #tpu.memory_space<hbm>>
      %dma_start3A_20 = tpu.memref_squeeze %dma_start3A_19 : memref<1x10240xf32, #tpu.memory_space<hbm>> -> memref<10240xf32, #tpu.memory_space<hbm>>
      %dma_start3A_21 = arith.constant 0 : i32
      %dma_start3A_22 = tpu.memref_slice %arg4[%add3A, %dma_start3A_21] : memref<32x10240xf32, #tpu.memory_space<hbm>> -> memref<1x10240xf32, #tpu.memory_space<hbm>>
      %dma_start3A_23 = tpu.memref_squeeze %dma_start3A_22 : memref<1x10240xf32, #tpu.memory_space<hbm>> -> memref<10240xf32, #tpu.memory_space<hbm>>
      tpu.enqueue_dma source(%arg8 : memref<10240xf32, #tpu.memory_space<vmem>>) target(%dma_start3A_23 : memref<10240xf32, #tpu.memory_space<hbm>>) target_semaphore(%run_scoped3A_18 : memref<!tpu.dma_semaphore, #tpu.memory_space<semaphore_mem>>)
      %dma_wait3A = arith.constant 0 : i32
      %dma_wait3A_24 = tpu.memref_slice %arg4[%add3A, %dma_wait3A] : memref<32x10240xf32, #tpu.memory_space<hbm>> -> memref<1x10240xf32, #tpu.memory_space<hbm>>
      %dma_wait3A_25 = tpu.memref_squeeze %dma_wait3A_24 : memref<1x10240xf32, #tpu.memory_space<hbm>> -> memref<10240xf32, #tpu.memory_space<hbm>>
      %dma_wait3A_26 = arith.constant 0 : i32
      %dma_wait3A_27 = tpu.memref_slice %arg4[%add3A, %dma_wait3A_26] : memref<32x10240xf32, #tpu.memory_space<hbm>> -> memref<1x10240xf32, #tpu.memory_space<hbm>>
      %dma_wait3A_28 = tpu.memref_squeeze %dma_wait3A_27 : memref<1x10240xf32, #tpu.memory_space<hbm>> -> memref<10240xf32, #tpu.memory_space<hbm>>
      tpu.wait_dma2 semaphore(%run_scoped3A_18 : memref<!tpu.dma_semaphore, #tpu.memory_space<semaphore_mem>>) src(%arg8 : memref<10240xf32, #tpu.memory_space<vmem>>) dst(%dma_wait3A_28 : memref<10240xf32, #tpu.memory_space<hbm>>)
      tpu.yield
    }) : () -> ()
    return
  }
}

#map = affine_map<(d0, d1) -> (0, 0)>
module attributes {stable_mosaic.version = 14 : i64} {
  func.func @k(%arg0: i32, %arg1: i32, %arg2: memref<2x320000xi32, #tpu.memory_space<hbm>>, %arg3: memref<32x10240xf32, #tpu.memory_space<hbm>>, %arg4: memref<10000xi32, #tpu.memory_space<vmem>>, %arg5: memref<10240xf32, #tpu.memory_space<vmem>>) attributes {dimension_semantics = [#tpu.dimension_semantics<core_parallel>, #tpu.dimension_semantics<subcore_parallel>], iteration_bounds = array<i64: 2, 16>, scalar_prefetch = 0 : i64, scratch_operands = 2 : i64, tpu.core_type = #tpu.core_type<sc_vector_subcore>, window_params = [{transform_indices = #map}, {transform_indices = #map}]} {
    %mul3A = arith.constant 2 : i32
    %mul3A_0 = arith.muli %arg1, %mul3A : i32
    %add3A = arith.addi %mul3A_0, %arg0 : i32
    %mul3A_1 = arith.constant 10000 : i32
    %mul3A_2 = arith.muli %add3A, %mul3A_1 : i32
    %run_scoped3A = arith.constant 1 : i32
    "tpu.region"() ({
      %run_scoped3A_15 = tpu.sem_alloc : memref<!tpu.dma_semaphore, #tpu.memory_space<semaphore_mem>>
      %dma_start3A = tpu.memref_slice %arg2[%run_scoped3A, %mul3A_2] : memref<2x320000xi32, #tpu.memory_space<hbm>> -> memref<1x10000xi32, #tpu.memory_space<hbm>>
      %dma_start3A_16 = tpu.memref_squeeze %dma_start3A : memref<1x10000xi32, #tpu.memory_space<hbm>> -> memref<10000xi32, #tpu.memory_space<hbm>>
      %dma_start3A_17 = tpu.memref_slice %arg2[%run_scoped3A, %mul3A_2] : memref<2x320000xi32, #tpu.memory_space<hbm>> -> memref<1x10000xi32, #tpu.memory_space<hbm>>
      %dma_start3A_18 = tpu.memref_squeeze %dma_start3A_17 : memref<1x10000xi32, #tpu.memory_space<hbm>> -> memref<10000xi32, #tpu.memory_space<hbm>>
      tpu.enqueue_dma source(%dma_start3A_18 : memref<10000xi32, #tpu.memory_space<hbm>>) target(%arg4 : memref<10000xi32, #tpu.memory_space<vmem>>) target_semaphore(%run_scoped3A_15 : memref<!tpu.dma_semaphore, #tpu.memory_space<semaphore_mem>>)
      %dma_wait3A = tpu.memref_slice %arg2[%run_scoped3A, %mul3A_2] : memref<2x320000xi32, #tpu.memory_space<hbm>> -> memref<1x10000xi32, #tpu.memory_space<hbm>>
      %dma_wait3A_19 = tpu.memref_squeeze %dma_wait3A : memref<1x10000xi32, #tpu.memory_space<hbm>> -> memref<10000xi32, #tpu.memory_space<hbm>>
      %dma_wait3A_20 = tpu.memref_slice %arg2[%run_scoped3A, %mul3A_2] : memref<2x320000xi32, #tpu.memory_space<hbm>> -> memref<1x10000xi32, #tpu.memory_space<hbm>>
      %dma_wait3A_21 = tpu.memref_squeeze %dma_wait3A_20 : memref<1x10000xi32, #tpu.memory_space<hbm>> -> memref<10000xi32, #tpu.memory_space<hbm>>
      tpu.wait_dma2 semaphore(%run_scoped3A_15 : memref<!tpu.dma_semaphore, #tpu.memory_space<semaphore_mem>>) src(%dma_wait3A_21 : memref<10000xi32, #tpu.memory_space<hbm>>) dst(%arg4 : memref<10000xi32, #tpu.memory_space<vmem>>)
      tpu.yield
    }) : () -> ()
    %broadcast_in_dim3A = arith.constant 0.000000e+00 : f32
    %broadcast_in_dim3A_3 = vector.broadcast %broadcast_in_dim3A : f32 to vector<16xf32>
    %broadcast_in_dim3A_4 = arith.constant 1.000000e+00 : f32
    %broadcast_in_dim3A_5 = vector.broadcast %broadcast_in_dim3A_4 : f32 to vector<16xf32>
    %scan3A = arith.constant 0 : i32
    %scan3A_6 = arith.constant 640 : i32
    %scan3A_7 = arith.addi %scan3A, %scan3A_6 : i32
    %scan3A_8 = arith.constant 1 : i32
    scf.for %scan3A_15 = %scan3A to %scan3A_7 step %scan3A_8  : i32 {
      %mul3A_16 = arith.constant 16 : i32
      %mul3A_17 = arith.muli %scan3A_15, %mul3A_16 : i32
      %add3A_18 = arith.constant 0 : i32
      %add3A_19 = arith.addi %add3A_18, %mul3A_17 : i32
      %swap3A = arith.index_cast %add3A_19 : i32 to index
      %swap3A_20 = tpu.vector_load %arg5[%swap3A] {strides = array<i32>} : memref<10240xf32, #tpu.memory_space<vmem>>, vector<16xf32>,
      tpu.vector_store %arg5[%swap3A], %broadcast_in_dim3A_3 {strides = array<i32>} : memref<10240xf32, #tpu.memory_space<vmem>>, vector<16xf32>,
    }
    %scan3A_9 = arith.constant 640 : i32
    %scan3A_10 = arith.constant 0 : i32
    %scan3A_11 = arith.constant 625 : i32
    %scan3A_12 = arith.addi %scan3A_10, %scan3A_11 : i32
    %scan3A_13 = arith.constant 1 : i32
    scf.for %scan3A_15 = %scan3A_10 to %scan3A_12 step %scan3A_13  : i32 {
      %mul3A_16 = arith.constant 16 : i32
      %mul3A_17 = arith.muli %scan3A_15, %mul3A_16 : i32
      %add3A_18 = arith.constant 0 : i32
      %add3A_19 = arith.addi %add3A_18, %mul3A_17 : i32
      %get3A = arith.index_cast %add3A_19 : i32 to index
      %get3A_20 = tpu.vector_load %arg4[%get3A] {strides = array<i32>} : memref<10000xi32, #tpu.memory_space<vmem>>, vector<16xi32>,
      tpu.vector_store_idx %arg5[%get3A_20], %broadcast_in_dim3A_5 {add = true} : memref<10240xf32, #tpu.memory_space<vmem>>[vector<16xi32>], vector<16xf32>,
    }
    %scan3A_14 = arith.constant 625 : i32
    "tpu.region"() ({
      %run_scoped3A_15 = tpu.sem_alloc : memref<!tpu.dma_semaphore, #tpu.memory_space<semaphore_mem>>
      %dma_start3A = arith.constant 0 : i32
      %dma_start3A_16 = tpu.memref_slice %arg3[%add3A, %dma_start3A] : memref<32x10240xf32, #tpu.memory_space<hbm>> -> memref<1x10240xf32, #tpu.memory_space<hbm>>
      %dma_start3A_17 = tpu.memref_squeeze %dma_start3A_16 : memref<1x10240xf32, #tpu.memory_space<hbm>> -> memref<10240xf32, #tpu.memory_space<hbm>>
      %dma_start3A_18 = arith.constant 0 : i32
      %dma_start3A_19 = tpu.memref_slice %arg3[%add3A, %dma_start3A_18] : memref<32x10240xf32, #tpu.memory_space<hbm>> -> memref<1x10240xf32, #tpu.memory_space<hbm>>
      %dma_start3A_20 = tpu.memref_squeeze %dma_start3A_19 : memref<1x10240xf32, #tpu.memory_space<hbm>> -> memref<10240xf32, #tpu.memory_space<hbm>>
      tpu.enqueue_dma source(%arg5 : memref<10240xf32, #tpu.memory_space<vmem>>) target(%dma_start3A_20 : memref<10240xf32, #tpu.memory_space<hbm>>) target_semaphore(%run_scoped3A_15 : memref<!tpu.dma_semaphore, #tpu.memory_space<semaphore_mem>>)
      %dma_wait3A = arith.constant 0 : i32
      %dma_wait3A_21 = tpu.memref_slice %arg3[%add3A, %dma_wait3A] : memref<32x10240xf32, #tpu.memory_space<hbm>> -> memref<1x10240xf32, #tpu.memory_space<hbm>>
      %dma_wait3A_22 = tpu.memref_squeeze %dma_wait3A_21 : memref<1x10240xf32, #tpu.memory_space<hbm>> -> memref<10240xf32, #tpu.memory_space<hbm>>
      %dma_wait3A_23 = arith.constant 0 : i32
      %dma_wait3A_24 = tpu.memref_slice %arg3[%add3A, %dma_wait3A_23] : memref<32x10240xf32, #tpu.memory_space<hbm>> -> memref<1x10240xf32, #tpu.memory_space<hbm>>
      %dma_wait3A_25 = tpu.memref_squeeze %dma_wait3A_24 : memref<1x10240xf32, #tpu.memory_space<hbm>> -> memref<10240xf32, #tpu.memory_space<hbm>>
      tpu.wait_dma2 semaphore(%run_scoped3A_15 : memref<!tpu.dma_semaphore, #tpu.memory_space<semaphore_mem>>) src(%arg5 : memref<10240xf32, #tpu.memory_space<vmem>>) dst(%dma_wait3A_25 : memref<10240xf32, #tpu.memory_space<hbm>>)
      tpu.yield
    }) : () -> ()
    return
  }
}

#map = affine_map<(d0, d1) -> (0, 0)>
#map1 = affine_map<(d0, d1) -> (0, 0, 0)>
module attributes {stable_mosaic.version = 14 : i64} {
  func.func @k(%arg0: i32, %arg1: i32, %arg2: memref<10240x64xf32, #tpu.memory_space<hbm>>, %arg3: memref<2x320000xi32, #tpu.memory_space<hbm>>, %arg4: memref<2x10240x64xf32, #tpu.memory_space<hbm>>, %arg5: memref<10000xi32, #tpu.memory_space<vmem>>, %arg6: memref<10000xi32, #tpu.memory_space<vmem>>, %arg7: memref<6x128x64xf32, #tpu.memory_space<vmem>>, %arg8: memref<10240x64xf32, #tpu.memory_space<vmem_shared>>, %arg9: memref<!tpu.dma_semaphore, #tpu.memory_space<semaphore_mem>>, %arg10: memref<!tpu.dma_semaphore, #tpu.memory_space<semaphore_mem>>, %arg11: memref<!tpu.dma_semaphore, #tpu.memory_space<semaphore_mem>>, %arg12: memref<!tpu.dma_semaphore, #tpu.memory_space<semaphore_mem>>, %arg13: memref<!tpu.dma_semaphore, #tpu.memory_space<semaphore_mem>>, %arg14: memref<!tpu.dma_semaphore, #tpu.memory_space<semaphore_mem>>) attributes {dimension_semantics = [#tpu.dimension_semantics<core_parallel>, #tpu.dimension_semantics<subcore_parallel>], iteration_bounds = array<i64: 2, 16>, scalar_prefetch = 0 : i64, scratch_operands = 10 : i64, tpu.core_type = #tpu.core_type<sc_vector_subcore>, window_params = [{transform_indices = #map}, {transform_indices = #map}, {transform_indices = #map1}]} {
    %mul3A = arith.constant 2 : i32
    %mul3A_0 = arith.muli %arg1, %mul3A : i32
    %add3A = arith.addi %mul3A_0, %arg0 : i32
    %mul3A_1 = arith.constant 10000 : i32
    %mul3A_2 = arith.muli %add3A, %mul3A_1 : i32
    %run_scoped3A = arith.constant 0 : i32
    "tpu.region"() ({
      %run_scoped3A_105 = tpu.sem_alloc : memref<!tpu.dma_semaphore, #tpu.memory_space<semaphore_mem>>
      %dma_start3A_106 = tpu.memref_slice %arg3[%run_scoped3A, %mul3A_2] : memref<2x320000xi32, #tpu.memory_space<hbm>> -> memref<1x10000xi32, #tpu.memory_space<hbm>>
      %dma_start3A_107 = tpu.memref_squeeze %dma_start3A_106 : memref<1x10000xi32, #tpu.memory_space<hbm>> -> memref<10000xi32, #tpu.memory_space<hbm>>
      %dma_start3A_108 = tpu.memref_slice %arg3[%run_scoped3A, %mul3A_2] : memref<2x320000xi32, #tpu.memory_space<hbm>> -> memref<1x10000xi32, #tpu.memory_space<hbm>>
      %dma_start3A_109 = tpu.memref_squeeze %dma_start3A_108 : memref<1x10000xi32, #tpu.memory_space<hbm>> -> memref<10000xi32, #tpu.memory_space<hbm>>
      tpu.enqueue_dma source(%dma_start3A_109 : memref<10000xi32, #tpu.memory_space<hbm>>) target(%arg5 : memref<10000xi32, #tpu.memory_space<vmem>>) target_semaphore(%run_scoped3A_105 : memref<!tpu.dma_semaphore, #tpu.memory_space<semaphore_mem>>)
      %dma_wait3A_110 = tpu.memref_slice %arg3[%run_scoped3A, %mul3A_2] : memref<2x320000xi32, #tpu.memory_space<hbm>> -> memref<1x10000xi32, #tpu.memory_space<hbm>>
      %dma_wait3A_111 = tpu.memref_squeeze %dma_wait3A_110 : memref<1x10000xi32, #tpu.memory_space<hbm>> -> memref<10000xi32, #tpu.memory_space<hbm>>
      %dma_wait3A_112 = tpu.memref_slice %arg3[%run_scoped3A, %mul3A_2] : memref<2x320000xi32, #tpu.memory_space<hbm>> -> memref<1x10000xi32, #tpu.memory_space<hbm>>
      %dma_wait3A_113 = tpu.memref_squeeze %dma_wait3A_112 : memref<1x10000xi32, #tpu.memory_space<hbm>> -> memref<10000xi32, #tpu.memory_space<hbm>>
      tpu.wait_dma2 semaphore(%run_scoped3A_105 : memref<!tpu.dma_semaphore, #tpu.memory_space<semaphore_mem>>) src(%dma_wait3A_113 : memref<10000xi32, #tpu.memory_space<hbm>>) dst(%arg5 : memref<10000xi32, #tpu.memory_space<vmem>>)
      tpu.yield
    }) : () -> ()
    %mul3A_3 = arith.constant 10000 : i32
    %mul3A_4 = arith.muli %add3A, %mul3A_3 : i32
    %run_scoped3A_5 = arith.constant 1 : i32
    "tpu.region"() ({
      %run_scoped3A_105 = tpu.sem_alloc : memref<!tpu.dma_semaphore, #tpu.memory_space<semaphore_mem>>
      %dma_start3A_106 = tpu.memref_slice %arg3[%run_scoped3A_5, %mul3A_4] : memref<2x320000xi32, #tpu.memory_space<hbm>> -> memref<1x10000xi32, #tpu.memory_space<hbm>>
      %dma_start3A_107 = tpu.memref_squeeze %dma_start3A_106 : memref<1x10000xi32, #tpu.memory_space<hbm>> -> memref<10000xi32, #tpu.memory_space<hbm>>
      %dma_start3A_108 = tpu.memref_slice %arg3[%run_scoped3A_5, %mul3A_4] : memref<2x320000xi32, #tpu.memory_space<hbm>> -> memref<1x10000xi32, #tpu.memory_space<hbm>>
      %dma_start3A_109 = tpu.memref_squeeze %dma_start3A_108 : memref<1x10000xi32, #tpu.memory_space<hbm>> -> memref<10000xi32, #tpu.memory_space<hbm>>
      tpu.enqueue_dma source(%dma_start3A_109 : memref<10000xi32, #tpu.memory_space<hbm>>) target(%arg6 : memref<10000xi32, #tpu.memory_space<vmem>>) target_semaphore(%run_scoped3A_105 : memref<!tpu.dma_semaphore, #tpu.memory_space<semaphore_mem>>)
      %dma_wait3A_110 = tpu.memref_slice %arg3[%run_scoped3A_5, %mul3A_4] : memref<2x320000xi32, #tpu.memory_space<hbm>> -> memref<1x10000xi32, #tpu.memory_space<hbm>>
      %dma_wait3A_111 = tpu.memref_squeeze %dma_wait3A_110 : memref<1x10000xi32, #tpu.memory_space<hbm>> -> memref<10000xi32, #tpu.memory_space<hbm>>
      %dma_wait3A_112 = tpu.memref_slice %arg3[%run_scoped3A_5, %mul3A_4] : memref<2x320000xi32, #tpu.memory_space<hbm>> -> memref<1x10000xi32, #tpu.memory_space<hbm>>
      %dma_wait3A_113 = tpu.memref_squeeze %dma_wait3A_112 : memref<1x10000xi32, #tpu.memory_space<hbm>> -> memref<10000xi32, #tpu.memory_space<hbm>>
      tpu.wait_dma2 semaphore(%run_scoped3A_105 : memref<!tpu.dma_semaphore, #tpu.memory_space<semaphore_mem>>) src(%dma_wait3A_113 : memref<10000xi32, #tpu.memory_space<hbm>>) dst(%arg6 : memref<10000xi32, #tpu.memory_space<vmem>>)
      tpu.yield
    }) : () -> ()
    %broadcast_in_dim3A = arith.constant 0.000000e+00 : f32
    %broadcast_in_dim3A_6 = vector.broadcast %broadcast_in_dim3A : f32 to vector<16xf32>
    %scan3A = arith.constant 0 : i32
    %scan3A_7 = arith.constant 128 : i32
    %scan3A_8 = arith.addi %scan3A, %scan3A_7 : i32
    %scan3A_9 = arith.constant 1 : i32
    scf.for %scan3A_105 = %scan3A to %scan3A_8 step %scan3A_9  : i32 {
      %mul3A_106 = arith.constant 1 : i32
      %mul3A_107 = arith.muli %scan3A_105, %mul3A_106 : i32
      %add3A_108 = arith.constant 0 : i32
      %add3A_109 = arith.addi %add3A_108, %mul3A_107 : i32
      %scan3A_110 = arith.constant 0 : i32
      %scan3A_111 = arith.constant 4 : i32
      %scan3A_112 = arith.addi %scan3A_110, %scan3A_111 : i32
      %scan3A_113 = arith.constant 1 : i32
      scf.for %scan3A_115 = %scan3A_110 to %scan3A_112 step %scan3A_113  : i32 {
        %mul3A_116 = arith.constant 16 : i32
        %mul3A_117 = arith.muli %scan3A_115, %mul3A_116 : i32
        %add3A_118 = arith.constant 0 : i32
        %add3A_119 = arith.addi %add3A_118, %mul3A_117 : i32
        %swap3A = arith.constant 0 : i32
        %swap3A_120 = arith.index_cast %swap3A : i32 to index
        %swap3A_121 = arith.index_cast %add3A_109 : i32 to index
        %swap3A_122 = arith.index_cast %add3A_119 : i32 to index
        %swap3A_123 = tpu.vector_load %arg7[%swap3A_120, %swap3A_121, %swap3A_122] {strides = array<i32>} : memref<6x128x64xf32, #tpu.memory_space<vmem>>, vector<16xf32>,
        tpu.vector_store %arg7[%swap3A_120, %swap3A_121, %swap3A_122], %broadcast_in_dim3A_6 {strides = array<i32>} : memref<6x128x64xf32, #tpu.memory_space<vmem>>, vector<16xf32>,
      }
      %scan3A_114 = arith.constant 4 : i32
    }
    %scan3A_10 = arith.constant 128 : i32
    %scan3A_11 = arith.constant 0 : i32
    %scan3A_12 = arith.constant 5 : i32
    %scan3A_13 = arith.addi %scan3A_11, %scan3A_12 : i32
    %scan3A_14 = arith.constant 1 : i32
    scf.for %scan3A_105 = %scan3A_11 to %scan3A_13 step %scan3A_14  : i32 {
      %mul3A_106 = arith.constant 128 : i32
      %mul3A_107 = arith.muli %scan3A_105, %mul3A_106 : i32
      %add3A_108 = arith.constant 0 : i32
      %add3A_109 = arith.addi %add3A_108, %mul3A_107 : i32
      %mul3A_110 = arith.constant 640 : i32
      %mul3A_111 = arith.muli %arg1, %mul3A_110 : i32
      %add3A_112 = arith.addi %mul3A_111, %add3A_109 : i32
      %run_scoped3A_113 = arith.constant 0 : i32
      "tpu.region"() ({
        %run_scoped3A_114 = tpu.sem_alloc : memref<!tpu.dma_semaphore, #tpu.memory_space<semaphore_mem>>
        %dma_start3A_115 = arith.constant 0 : i32
        %dma_start3A_116 = arith.constant 0 : i32
        %dma_start3A_117 = tpu.memref_slice %arg7[%run_scoped3A_113, %dma_start3A_115, %dma_start3A_116] : memref<6x128x64xf32, #tpu.memory_space<vmem>> -> memref<1x128x64xf32, #tpu.memory_space<vmem>>
        %dma_start3A_118 = tpu.memref_squeeze %dma_start3A_117 : memref<1x128x64xf32, #tpu.memory_space<vmem>> -> memref<128x64xf32, #tpu.memory_space<vmem>>
        %dma_start3A_119 = arith.constant 0 : i32
        %dma_start3A_120 = tpu.memref_slice %arg8[%add3A_112, %dma_start3A_119] : memref<10240x64xf32, #tpu.memory_space<vmem_shared>> -> memref<128x64xf32, #tpu.memory_space<vmem_shared>>
        %dma_start3A_121 = arith.constant 0 : i32
        %dma_start3A_122 = tpu.memref_slice %arg8[%add3A_112, %dma_start3A_121] : memref<10240x64xf32, #tpu.memory_space<vmem_shared>> -> memref<128x64xf32, #tpu.memory_space<vmem_shared>>
        %dma_start3A_123 = arith.constant 0 : i32
        %dma_start3A_124 = arith.constant 0 : i32
        %dma_start3A_125 = tpu.memref_slice %arg7[%run_scoped3A_113, %dma_start3A_123, %dma_start3A_124] : memref<6x128x64xf32, #tpu.memory_space<vmem>> -> memref<1x128x64xf32, #tpu.memory_space<vmem>>
        %dma_start3A_126 = tpu.memref_squeeze %dma_start3A_125 : memref<1x128x64xf32, #tpu.memory_space<vmem>> -> memref<128x64xf32, #tpu.memory_space<vmem>>
        tpu.enqueue_dma source(%dma_start3A_126 : memref<128x64xf32, #tpu.memory_space<vmem>>) target(%dma_start3A_122 : memref<128x64xf32, #tpu.memory_space<vmem_shared>>) target_semaphore(%run_scoped3A_114 : memref<!tpu.dma_semaphore, #tpu.memory_space<semaphore_mem>>)
        %dma_wait3A_127 = arith.constant 0 : i32
        %dma_wait3A_128 = arith.constant 0 : i32
        %dma_wait3A_129 = tpu.memref_slice %arg7[%run_scoped3A_113, %dma_wait3A_127, %dma_wait3A_128] : memref<6x128x64xf32, #tpu.memory_space<vmem>> -> memref<1x128x64xf32, #tpu.memory_space<vmem>>
        %dma_wait3A_130 = tpu.memref_squeeze %dma_wait3A_129 : memref<1x128x64xf32, #tpu.memory_space<vmem>> -> memref<128x64xf32, #tpu.memory_space<vmem>>
        %dma_wait3A_131 = arith.constant 0 : i32
        %dma_wait3A_132 = tpu.memref_slice %arg8[%add3A_112, %dma_wait3A_131] : memref<10240x64xf32, #tpu.memory_space<vmem_shared>> -> memref<128x64xf32, #tpu.memory_space<vmem_shared>>
        %dma_wait3A_133 = arith.constant 0 : i32
        %dma_wait3A_134 = tpu.memref_slice %arg8[%add3A_112, %dma_wait3A_133] : memref<10240x64xf32, #tpu.memory_space<vmem_shared>> -> memref<128x64xf32, #tpu.memory_space<vmem_shared>>
        %dma_wait3A_135 = arith.constant 0 : i32
        %dma_wait3A_136 = arith.constant 0 : i32
        %dma_wait3A_137 = tpu.memref_slice %arg7[%run_scoped3A_113, %dma_wait3A_135, %dma_wait3A_136] : memref<6x128x64xf32, #tpu.memory_space<vmem>> -> memref<1x128x64xf32, #tpu.memory_space<vmem>>
        %dma_wait3A_138 = tpu.memref_squeeze %dma_wait3A_137 : memref<1x128x64xf32, #tpu.memory_space<vmem>> -> memref<128x64xf32, #tpu.memory_space<vmem>>
        tpu.wait_dma2 semaphore(%run_scoped3A_114 : memref<!tpu.dma_semaphore, #tpu.memory_space<semaphore_mem>>) src(%dma_wait3A_138 : memref<128x64xf32, #tpu.memory_space<vmem>>) dst(%dma_wait3A_134 : memref<128x64xf32, #tpu.memory_space<vmem_shared>>)
        tpu.yield
      }) : () -> ()
    }
    %scan3A_15 = arith.constant 5 : i32
    %barrier3A = arith.constant 0 : index
    tpu.barrier barrier_id(%barrier3A)
    %dma_start3A = arith.constant 0 : i32
    %dma_start3A_16 = arith.constant 0 : i32
    %dma_start3A_17 = arith.constant 0 : i32
    %dma_start3A_18 = tpu.memref_slice %arg7[%dma_start3A, %dma_start3A_16, %dma_start3A_17] : memref<6x128x64xf32, #tpu.memory_space<vmem>> -> memref<1x128x64xf32, #tpu.memory_space<vmem>>
    %dma_start3A_19 = tpu.memref_squeeze %dma_start3A_18 : memref<1x128x64xf32, #tpu.memory_space<vmem>> -> memref<128x64xf32, #tpu.memory_space<vmem>>
    %dma_start3A_20 = arith.constant 0 : i32
    %dma_start3A_21 = tpu.memref_slice %arg5[%dma_start3A_20] : memref<10000xi32, #tpu.memory_space<vmem>> -> memref<128xi32, #tpu.memory_space<vmem>>
    %dma_start3A_22 = arith.constant 0 : i32
    %dma_start3A_23 = arith.constant 0 : i32
    %dma_start3A_24 = tpu.memref_slice %arg2[%dma_start3A_22, %dma_start3A_23] : memref<10240x64xf32, #tpu.memory_space<hbm>> -> memref<10240x64xf32, #tpu.memory_space<hbm>>
    tpu.enqueue_indirect_dma source(%dma_start3A_24 : memref<10240x64xf32, #tpu.memory_space<hbm>>) target(%dma_start3A_19 : memref<128x64xf32, #tpu.memory_space<vmem>>) offsets(%dma_start3A_21 : memref<128xi32, #tpu.memory_space<vmem>>) semaphore(%arg9 : memref<!tpu.dma_semaphore, #tpu.memory_space<semaphore_mem>>)
    %dma_start3A_25 = arith.constant 1 : i32
    %dma_start3A_26 = arith.constant 0 : i32
    %dma_start3A_27 = arith.constant 0 : i32
    %dma_start3A_28 = tpu.memref_slice %arg7[%dma_start3A_25, %dma_start3A_26, %dma_start3A_27] : memref<6x128x64xf32, #tpu.memory_space<vmem>> -> memref<1x128x64xf32, #tpu.memory_space<vmem>>
    %dma_start3A_29 = tpu.memref_squeeze %dma_start3A_28 : memref<1x128x64xf32, #tpu.memory_space<vmem>> -> memref<128x64xf32, #tpu.memory_space<vmem>>
    %dma_start3A_30 = arith.constant 128 : i32
    %dma_start3A_31 = tpu.memref_slice %arg5[%dma_start3A_30] : memref<10000xi32, #tpu.memory_space<vmem>> -> memref<128xi32, #tpu.memory_space<vmem>>
    %dma_start3A_32 = arith.constant 0 : i32
    %dma_start3A_33 = arith.constant 0 : i32
    %dma_start3A_34 = tpu.memref_slice %arg2[%dma_start3A_32, %dma_start3A_33] : memref<10240x64xf32, #tpu.memory_space<hbm>> -> memref<10240x64xf32, #tpu.memory_space<hbm>>
    tpu.enqueue_indirect_dma source(%dma_start3A_34 : memref<10240x64xf32, #tpu.memory_space<hbm>>) target(%dma_start3A_29 : memref<128x64xf32, #tpu.memory_space<vmem>>) offsets(%dma_start3A_31 : memref<128xi32, #tpu.memory_space<vmem>>) semaphore(%arg10 : memref<!tpu.dma_semaphore, #tpu.memory_space<semaphore_mem>>)
    %dma_start3A_35 = arith.constant 2 : i32
    %dma_start3A_36 = arith.constant 0 : i32
    %dma_start3A_37 = arith.constant 0 : i32
    %dma_start3A_38 = tpu.memref_slice %arg7[%dma_start3A_35, %dma_start3A_36, %dma_start3A_37] : memref<6x128x64xf32, #tpu.memory_space<vmem>> -> memref<1x128x64xf32, #tpu.memory_space<vmem>>
    %dma_start3A_39 = tpu.memref_squeeze %dma_start3A_38 : memref<1x128x64xf32, #tpu.memory_space<vmem>> -> memref<128x64xf32, #tpu.memory_space<vmem>>
    %dma_start3A_40 = arith.constant 256 : i32
    %dma_start3A_41 = tpu.memref_slice %arg5[%dma_start3A_40] : memref<10000xi32, #tpu.memory_space<vmem>> -> memref<128xi32, #tpu.memory_space<vmem>>
    %dma_start3A_42 = arith.constant 0 : i32
    %dma_start3A_43 = arith.constant 0 : i32
    %dma_start3A_44 = tpu.memref_slice %arg2[%dma_start3A_42, %dma_start3A_43] : memref<10240x64xf32, #tpu.memory_space<hbm>> -> memref<10240x64xf32, #tpu.memory_space<hbm>>
    tpu.enqueue_indirect_dma source(%dma_start3A_44 : memref<10240x64xf32, #tpu.memory_space<hbm>>) target(%dma_start3A_39 : memref<128x64xf32, #tpu.memory_space<vmem>>) offsets(%dma_start3A_41 : memref<128xi32, #tpu.memory_space<vmem>>) semaphore(%arg11 : memref<!tpu.dma_semaphore, #tpu.memory_space<semaphore_mem>>)
    %dma_start3A_45 = arith.constant 3 : i32
    %dma_start3A_46 = arith.constant 0 : i32
    %dma_start3A_47 = arith.constant 0 : i32
    %dma_start3A_48 = tpu.memref_slice %arg7[%dma_start3A_45, %dma_start3A_46, %dma_start3A_47] : memref<6x128x64xf32, #tpu.memory_space<vmem>> -> memref<1x128x64xf32, #tpu.memory_space<vmem>>
    %dma_start3A_49 = tpu.memref_squeeze %dma_start3A_48 : memref<1x128x64xf32, #tpu.memory_space<vmem>> -> memref<128x64xf32, #tpu.memory_space<vmem>>
    %dma_start3A_50 = arith.constant 384 : i32
    %dma_start3A_51 = tpu.memref_slice %arg5[%dma_start3A_50] : memref<10000xi32, #tpu.memory_space<vmem>> -> memref<128xi32, #tpu.memory_space<vmem>>
    %dma_start3A_52 = arith.constant 0 : i32
    %dma_start3A_53 = arith.constant 0 : i32
    %dma_start3A_54 = tpu.memref_slice %arg2[%dma_start3A_52, %dma_start3A_53] : memref<10240x64xf32, #tpu.memory_space<hbm>> -> memref<10240x64xf32, #tpu.memory_space<hbm>>
    tpu.enqueue_indirect_dma source(%dma_start3A_54 : memref<10240x64xf32, #tpu.memory_space<hbm>>) target(%dma_start3A_49 : memref<128x64xf32, #tpu.memory_space<vmem>>) offsets(%dma_start3A_51 : memref<128xi32, #tpu.memory_space<vmem>>) semaphore(%arg12 : memref<!tpu.dma_semaphore, #tpu.memory_space<semaphore_mem>>)
    %dma_start3A_55 = arith.constant 4 : i32
    %dma_start3A_56 = arith.constant 0 : i32
    %dma_start3A_57 = arith.constant 0 : i32
    %dma_start3A_58 = tpu.memref_slice %arg7[%dma_start3A_55, %dma_start3A_56, %dma_start3A_57] : memref<6x128x64xf32, #tpu.memory_space<vmem>> -> memref<1x128x64xf32, #tpu.memory_space<vmem>>
    %dma_start3A_59 = tpu.memref_squeeze %dma_start3A_58 : memref<1x128x64xf32, #tpu.memory_space<vmem>> -> memref<128x64xf32, #tpu.memory_space<vmem>>
    %dma_start3A_60 = arith.constant 512 : i32
    %dma_start3A_61 = tpu.memref_slice %arg5[%dma_start3A_60] : memref<10000xi32, #tpu.memory_space<vmem>> -> memref<128xi32, #tpu.memory_space<vmem>>
    %dma_start3A_62 = arith.constant 0 : i32
    %dma_start3A_63 = arith.constant 0 : i32
    %dma_start3A_64 = tpu.memref_slice %arg2[%dma_start3A_62, %dma_start3A_63] : memref<10240x64xf32, #tpu.memory_space<hbm>> -> memref<10240x64xf32, #tpu.memory_space<hbm>>
    tpu.enqueue_indirect_dma source(%dma_start3A_64 : memref<10240x64xf32, #tpu.memory_space<hbm>>) target(%dma_start3A_59 : memref<128x64xf32, #tpu.memory_space<vmem>>) offsets(%dma_start3A_61 : memref<128xi32, #tpu.memory_space<vmem>>) semaphore(%arg13 : memref<!tpu.dma_semaphore, #tpu.memory_space<semaphore_mem>>)
    %dma_start3A_65 = arith.constant 5 : i32
    %dma_start3A_66 = arith.constant 0 : i32
    %dma_start3A_67 = arith.constant 0 : i32
    %dma_start3A_68 = tpu.memref_slice %arg7[%dma_start3A_65, %dma_start3A_66, %dma_start3A_67] : memref<6x128x64xf32, #tpu.memory_space<vmem>> -> memref<1x128x64xf32, #tpu.memory_space<vmem>>
    %dma_start3A_69 = tpu.memref_squeeze %dma_start3A_68 : memref<1x128x64xf32, #tpu.memory_space<vmem>> -> memref<128x64xf32, #tpu.memory_space<vmem>>
    %dma_start3A_70 = arith.constant 640 : i32
    %dma_start3A_71 = tpu.memref_slice %arg5[%dma_start3A_70] : memref<10000xi32, #tpu.memory_space<vmem>> -> memref<128xi32, #tpu.memory_space<vmem>>
    %dma_start3A_72 = arith.constant 0 : i32
    %dma_start3A_73 = arith.constant 0 : i32
    %dma_start3A_74 = tpu.memref_slice %arg2[%dma_start3A_72, %dma_start3A_73] : memref<10240x64xf32, #tpu.memory_space<hbm>> -> memref<10240x64xf32, #tpu.memory_space<hbm>>
    tpu.enqueue_indirect_dma source(%dma_start3A_74 : memref<10240x64xf32, #tpu.memory_space<hbm>>) target(%dma_start3A_69 : memref<128x64xf32, #tpu.memory_space<vmem>>) offsets(%dma_start3A_71 : memref<128xi32, #tpu.memory_space<vmem>>) semaphore(%arg14 : memref<!tpu.dma_semaphore, #tpu.memory_space<semaphore_mem>>)
    %scan3A_75 = arith.constant 0 : i32
    %scan3A_76 = arith.constant 13 : i32
    %scan3A_77 = arith.addi %scan3A_75, %scan3A_76 : i32
    %scan3A_78 = arith.constant 1 : i32
    scf.for %scan3A_105 = %scan3A_75 to %scan3A_77 step %scan3A_78  : i32 {
      %mul3A_106 = arith.constant 6 : i32
      %mul3A_107 = arith.muli %scan3A_105, %mul3A_106 : i32
      %add3A_108 = arith.constant 0 : i32
      %add3A_109 = arith.addi %add3A_108, %mul3A_107 : i32
      %add3A_110 = arith.constant 0 : i32
      %add3A_111 = arith.addi %add3A_109, %add3A_110 : i32
      %mul3A_112 = arith.constant 128 : i32
      %mul3A_113 = arith.muli %add3A_111, %mul3A_112 : i32
      %dma_wait3A_114 = arith.constant 0 : i32
      %dma_wait3A_115 = arith.constant 0 : i32
      %dma_wait3A_116 = arith.constant 0 : i32
      %dma_wait3A_117 = tpu.memref_slice %arg7[%dma_wait3A_114, %dma_wait3A_115, %dma_wait3A_116] : memref<6x128x64xf32, #tpu.memory_space<vmem>> -> memref<1x128x64xf32, #tpu.memory_space<vmem>>
      %dma_wait3A_118 = tpu.memref_squeeze %dma_wait3A_117 : memref<1x128x64xf32, #tpu.memory_space<vmem>> -> memref<128x64xf32, #tpu.memory_space<vmem>>
      %dma_wait3A_119 = tpu.memref_slice %arg5[%mul3A_113] : memref<10000xi32, #tpu.memory_space<vmem>> -> memref<128xi32, #tpu.memory_space<vmem>>
      %dma_wait3A_120 = arith.constant 0 : i32
      %dma_wait3A_121 = arith.constant 0 : i32
      %dma_wait3A_122 = tpu.memref_slice %arg2[%dma_wait3A_120, %dma_wait3A_121] : memref<10240x64xf32, #tpu.memory_space<hbm>> -> memref<10240x64xf32, #tpu.memory_space<hbm>>
      tpu.wait_indirect_dma semaphore(%arg9 : memref<!tpu.dma_semaphore, #tpu.memory_space<semaphore_mem>>) src(%dma_wait3A_122 : memref<10240x64xf32, #tpu.memory_space<hbm>>) dst(%dma_wait3A_118 : memref<128x64xf32, #tpu.memory_space<vmem>>)
      %mul3A_123 = arith.constant 128 : i32
      %mul3A_124 = arith.muli %add3A_111, %mul3A_123 : i32
      %run_scoped3A_125 = arith.constant 0 : i32
      "tpu.region"() ({
        %run_scoped3A_245 = tpu.sem_alloc : memref<!tpu.dma_semaphore, #tpu.memory_space<semaphore_mem>>
        %dma_start3A_246 = arith.constant 0 : i32
        %dma_start3A_247 = arith.constant 0 : i32
        %dma_start3A_248 = tpu.memref_slice %arg7[%run_scoped3A_125, %dma_start3A_246, %dma_start3A_247] : memref<6x128x64xf32, #tpu.memory_space<vmem>> -> memref<1x128x64xf32, #tpu.memory_space<vmem>>
        %dma_start3A_249 = tpu.memref_squeeze %dma_start3A_248 : memref<1x128x64xf32, #tpu.memory_space<vmem>> -> memref<128x64xf32, #tpu.memory_space<vmem>>
        %dma_start3A_250 = tpu.memref_slice %arg6[%mul3A_124] : memref<10000xi32, #tpu.memory_space<vmem>> -> memref<128xi32, #tpu.memory_space<vmem>>
        %dma_start3A_251 = arith.constant 0 : i32
        %dma_start3A_252 = arith.constant 0 : i32
        %dma_start3A_253 = tpu.memref_slice %arg8[%dma_start3A_251, %dma_start3A_252] : memref<10240x64xf32, #tpu.memory_space<vmem_shared>> -> memref<10240x64xf32, #tpu.memory_space<vmem_shared>>
        tpu.enqueue_indirect_dma source(%dma_start3A_249 : memref<128x64xf32, #tpu.memory_space<vmem>>) target(%dma_start3A_253 : memref<10240x64xf32, #tpu.memory_space<vmem_shared>>) offsets(%dma_start3A_250 : memref<128xi32, #tpu.memory_space<vmem>>) semaphore(%run_scoped3A_245 : memref<!tpu.dma_semaphore, #tpu.memory_space<semaphore_mem>>) {add = true}
        %dma_wait3A_254 = arith.constant 0 : i32
        %dma_wait3A_255 = arith.constant 0 : i32
        %dma_wait3A_256 = tpu.memref_slice %arg7[%run_scoped3A_125, %dma_wait3A_254, %dma_wait3A_255] : memref<6x128x64xf32, #tpu.memory_space<vmem>> -> memref<1x128x64xf32, #tpu.memory_space<vmem>>
        %dma_wait3A_257 = tpu.memref_squeeze %dma_wait3A_256 : memref<1x128x64xf32, #tpu.memory_space<vmem>> -> memref<128x64xf32, #tpu.memory_space<vmem>>
        %dma_wait3A_258 = tpu.memref_slice %arg6[%mul3A_124] : memref<10000xi32, #tpu.memory_space<vmem>> -> memref<128xi32, #tpu.memory_space<vmem>>
        %dma_wait3A_259 = arith.constant 0 : i32
        %dma_wait3A_260 = arith.constant 0 : i32
        %dma_wait3A_261 = tpu.memref_slice %arg8[%dma_wait3A_259, %dma_wait3A_260] : memref<10240x64xf32, #tpu.memory_space<vmem_shared>> -> memref<10240x64xf32, #tpu.memory_space<vmem_shared>>
        tpu.wait_indirect_dma semaphore(%run_scoped3A_245 : memref<!tpu.dma_semaphore, #tpu.memory_space<semaphore_mem>>) src(%dma_wait3A_257 : memref<128x64xf32, #tpu.memory_space<vmem>>) dst(%dma_wait3A_261 : memref<10240x64xf32, #tpu.memory_space<vmem_shared>>)
        tpu.yield
      }) : () -> ()
      %add3A_126 = arith.constant 6 : i32
      %add3A_127 = arith.addi %add3A_111, %add3A_126 : i32
      %lt3A = arith.constant 78 : i32
      %lt3A_128 = arith.cmpi slt, %add3A_127, %lt3A : i32
      %convert_element_type3A = arith.extui %lt3A_128 : i1 to i32
      %cond3A = arith.constant 0 : i32
      %cond3A_129 = arith.cmpi ne, %convert_element_type3A, %cond3A : i32
      scf.if %cond3A_129 {
        %add3A_245 = arith.constant 6 : i32
        %add3A_246 = arith.addi %add3A_111, %add3A_245 : i32
        %mul3A_247 = arith.constant 128 : i32
        %mul3A_248 = arith.muli %add3A_246, %mul3A_247 : i32
        %dma_start3A_249 = arith.constant 0 : i32
        %dma_start3A_250 = arith.constant 0 : i32
        %dma_start3A_251 = arith.constant 0 : i32
        %dma_start3A_252 = tpu.memref_slice %arg7[%dma_start3A_249, %dma_start3A_250, %dma_start3A_251] : memref<6x128x64xf32, #tpu.memory_space<vmem>> -> memref<1x128x64xf32, #tpu.memory_space<vmem>>
        %dma_start3A_253 = tpu.memref_squeeze %dma_start3A_252 : memref<1x128x64xf32, #tpu.memory_space<vmem>> -> memref<128x64xf32, #tpu.memory_space<vmem>>
        %dma_start3A_254 = tpu.memref_slice %arg5[%mul3A_248] : memref<10000xi32, #tpu.memory_space<vmem>> -> memref<128xi32, #tpu.memory_space<vmem>>
        %dma_start3A_255 = arith.constant 0 : i32
        %dma_start3A_256 = arith.constant 0 : i32
        %dma_start3A_257 = tpu.memref_slice %arg2[%dma_start3A_255, %dma_start3A_256] : memref<10240x64xf32, #tpu.memory_space<hbm>> -> memref<10240x64xf32, #tpu.memory_space<hbm>>
        tpu.enqueue_indirect_dma source(%dma_start3A_257 : memref<10240x64xf32, #tpu.memory_space<hbm>>) target(%dma_start3A_253 : memref<128x64xf32, #tpu.memory_space<vmem>>) offsets(%dma_start3A_254 : memref<128xi32, #tpu.memory_space<vmem>>) semaphore(%arg9 : memref<!tpu.dma_semaphore, #tpu.memory_space<semaphore_mem>>)
      } else {
      }
      %add3A_130 = arith.constant 1 : i32
      %add3A_131 = arith.addi %add3A_109, %add3A_130 : i32
      %mul3A_132 = arith.constant 128 : i32
      %mul3A_133 = arith.muli %add3A_131, %mul3A_132 : i32
      %dma_wait3A_134 = arith.constant 1 : i32
      %dma_wait3A_135 = arith.constant 0 : i32
      %dma_wait3A_136 = arith.constant 0 : i32
      %dma_wait3A_137 = tpu.memref_slice %arg7[%dma_wait3A_134, %dma_wait3A_135, %dma_wait3A_136] : memref<6x128x64xf32, #tpu.memory_space<vmem>> -> memref<1x128x64xf32, #tpu.memory_space<vmem>>
      %dma_wait3A_138 = tpu.memref_squeeze %dma_wait3A_137 : memref<1x128x64xf32, #tpu.memory_space<vmem>> -> memref<128x64xf32, #tpu.memory_space<vmem>>
      %dma_wait3A_139 = tpu.memref_slice %arg5[%mul3A_133] : memref<10000xi32, #tpu.memory_space<vmem>> -> memref<128xi32, #tpu.memory_space<vmem>>
      %dma_wait3A_140 = arith.constant 0 : i32
      %dma_wait3A_141 = arith.constant 0 : i32
      %dma_wait3A_142 = tpu.memref_slice %arg2[%dma_wait3A_140, %dma_wait3A_141] : memref<10240x64xf32, #tpu.memory_space<hbm>> -> memref<10240x64xf32, #tpu.memory_space<hbm>>
      tpu.wait_indirect_dma semaphore(%arg10 : memref<!tpu.dma_semaphore, #tpu.memory_space<semaphore_mem>>) src(%dma_wait3A_142 : memref<10240x64xf32, #tpu.memory_space<hbm>>) dst(%dma_wait3A_138 : memref<128x64xf32, #tpu.memory_space<vmem>>)
      %mul3A_143 = arith.constant 128 : i32
      %mul3A_144 = arith.muli %add3A_131, %mul3A_143 : i32
      %run_scoped3A_145 = arith.constant 1 : i32
      "tpu.region"() ({
        %run_scoped3A_245 = tpu.sem_alloc : memref<!tpu.dma_semaphore, #tpu.memory_space<semaphore_mem>>
        %dma_start3A_246 = arith.constant 0 : i32
        %dma_start3A_247 = arith.constant 0 : i32
        %dma_start3A_248 = tpu.memref_slice %arg7[%run_scoped3A_145, %dma_start3A_246, %dma_start3A_247] : memref<6x128x64xf32, #tpu.memory_space<vmem>> -> memref<1x128x64xf32, #tpu.memory_space<vmem>>
        %dma_start3A_249 = tpu.memref_squeeze %dma_start3A_248 : memref<1x128x64xf32, #tpu.memory_space<vmem>> -> memref<128x64xf32, #tpu.memory_space<vmem>>
        %dma_start3A_250 = tpu.memref_slice %arg6[%mul3A_144] : memref<10000xi32, #tpu.memory_space<vmem>> -> memref<128xi32, #tpu.memory_space<vmem>>
        %dma_start3A_251 = arith.constant 0 : i32
        %dma_start3A_252 = arith.constant 0 : i32
        %dma_start3A_253 = tpu.memref_slice %arg8[%dma_start3A_251, %dma_start3A_252] : memref<10240x64xf32, #tpu.memory_space<vmem_shared>> -> memref<10240x64xf32, #tpu.memory_space<vmem_shared>>
        tpu.enqueue_indirect_dma source(%dma_start3A_249 : memref<128x64xf32, #tpu.memory_space<vmem>>) target(%dma_start3A_253 : memref<10240x64xf32, #tpu.memory_space<vmem_shared>>) offsets(%dma_start3A_250 : memref<128xi32, #tpu.memory_space<vmem>>) semaphore(%run_scoped3A_245 : memref<!tpu.dma_semaphore, #tpu.memory_space<semaphore_mem>>) {add = true}
        %dma_wait3A_254 = arith.constant 0 : i32
        %dma_wait3A_255 = arith.constant 0 : i32
        %dma_wait3A_256 = tpu.memref_slice %arg7[%run_scoped3A_145, %dma_wait3A_254, %dma_wait3A_255] : memref<6x128x64xf32, #tpu.memory_space<vmem>> -> memref<1x128x64xf32, #tpu.memory_space<vmem>>
        %dma_wait3A_257 = tpu.memref_squeeze %dma_wait3A_256 : memref<1x128x64xf32, #tpu.memory_space<vmem>> -> memref<128x64xf32, #tpu.memory_space<vmem>>
        %dma_wait3A_258 = tpu.memref_slice %arg6[%mul3A_144] : memref<10000xi32, #tpu.memory_space<vmem>> -> memref<128xi32, #tpu.memory_space<vmem>>
        %dma_wait3A_259 = arith.constant 0 : i32
        %dma_wait3A_260 = arith.constant 0 : i32
        %dma_wait3A_261 = tpu.memref_slice %arg8[%dma_wait3A_259, %dma_wait3A_260] : memref<10240x64xf32, #tpu.memory_space<vmem_shared>> -> memref<10240x64xf32, #tpu.memory_space<vmem_shared>>
        tpu.wait_indirect_dma semaphore(%run_scoped3A_245 : memref<!tpu.dma_semaphore, #tpu.memory_space<semaphore_mem>>) src(%dma_wait3A_257 : memref<128x64xf32, #tpu.memory_space<vmem>>) dst(%dma_wait3A_261 : memref<10240x64xf32, #tpu.memory_space<vmem_shared>>)
        tpu.yield
      }) : () -> ()
      %add3A_146 = arith.constant 6 : i32
      %add3A_147 = arith.addi %add3A_131, %add3A_146 : i32
      %lt3A_148 = arith.constant 78 : i32
      %lt3A_149 = arith.cmpi slt, %add3A_147, %lt3A_148 : i32
      %convert_element_type3A_150 = arith.extui %lt3A_149 : i1 to i32
      %cond3A_151 = arith.constant 0 : i32
      %cond3A_152 = arith.cmpi ne, %convert_element_type3A_150, %cond3A_151 : i32
      scf.if %cond3A_152 {
        %add3A_245 = arith.constant 6 : i32
        %add3A_246 = arith.addi %add3A_131, %add3A_245 : i32
        %mul3A_247 = arith.constant 128 : i32
        %mul3A_248 = arith.muli %add3A_246, %mul3A_247 : i32
        %dma_start3A_249 = arith.constant 1 : i32
        %dma_start3A_250 = arith.constant 0 : i32
        %dma_start3A_251 = arith.constant 0 : i32
        %dma_start3A_252 = tpu.memref_slice %arg7[%dma_start3A_249, %dma_start3A_250, %dma_start3A_251] : memref<6x128x64xf32, #tpu.memory_space<vmem>> -> memref<1x128x64xf32, #tpu.memory_space<vmem>>
        %dma_start3A_253 = tpu.memref_squeeze %dma_start3A_252 : memref<1x128x64xf32, #tpu.memory_space<vmem>> -> memref<128x64xf32, #tpu.memory_space<vmem>>
        %dma_start3A_254 = tpu.memref_slice %arg5[%mul3A_248] : memref<10000xi32, #tpu.memory_space<vmem>> -> memref<128xi32, #tpu.memory_space<vmem>>
        %dma_start3A_255 = arith.constant 0 : i32
        %dma_start3A_256 = arith.constant 0 : i32
        %dma_start3A_257 = tpu.memref_slice %arg2[%dma_start3A_255, %dma_start3A_256] : memref<10240x64xf32, #tpu.memory_space<hbm>> -> memref<10240x64xf32, #tpu.memory_space<hbm>>
        tpu.enqueue_indirect_dma source(%dma_start3A_257 : memref<10240x64xf32, #tpu.memory_space<hbm>>) target(%dma_start3A_253 : memref<128x64xf32, #tpu.memory_space<vmem>>) offsets(%dma_start3A_254 : memref<128xi32, #tpu.memory_space<vmem>>) semaphore(%arg10 : memref<!tpu.dma_semaphore, #tpu.memory_space<semaphore_mem>>)
      } else {
      }
      %add3A_153 = arith.constant 2 : i32
      %add3A_154 = arith.addi %add3A_109, %add3A_153 : i32
      %mul3A_155 = arith.constant 128 : i32
      %mul3A_156 = arith.muli %add3A_154, %mul3A_155 : i32
      %dma_wait3A_157 = arith.constant 2 : i32
      %dma_wait3A_158 = arith.constant 0 : i32
      %dma_wait3A_159 = arith.constant 0 : i32
      %dma_wait3A_160 = tpu.memref_slice %arg7[%dma_wait3A_157, %dma_wait3A_158, %dma_wait3A_159] : memref<6x128x64xf32, #tpu.memory_space<vmem>> -> memref<1x128x64xf32, #tpu.memory_space<vmem>>
      %dma_wait3A_161 = tpu.memref_squeeze %dma_wait3A_160 : memref<1x128x64xf32, #tpu.memory_space<vmem>> -> memref<128x64xf32, #tpu.memory_space<vmem>>
      %dma_wait3A_162 = tpu.memref_slice %arg5[%mul3A_156] : memref<10000xi32, #tpu.memory_space<vmem>> -> memref<128xi32, #tpu.memory_space<vmem>>
      %dma_wait3A_163 = arith.constant 0 : i32
      %dma_wait3A_164 = arith.constant 0 : i32
      %dma_wait3A_165 = tpu.memref_slice %arg2[%dma_wait3A_163, %dma_wait3A_164] : memref<10240x64xf32, #tpu.memory_space<hbm>> -> memref<10240x64xf32, #tpu.memory_space<hbm>>
      tpu.wait_indirect_dma semaphore(%arg11 : memref<!tpu.dma_semaphore, #tpu.memory_space<semaphore_mem>>) src(%dma_wait3A_165 : memref<10240x64xf32, #tpu.memory_space<hbm>>) dst(%dma_wait3A_161 : memref<128x64xf32, #tpu.memory_space<vmem>>)
      %mul3A_166 = arith.constant 128 : i32
      %mul3A_167 = arith.muli %add3A_154, %mul3A_166 : i32
      %run_scoped3A_168 = arith.constant 2 : i32
      "tpu.region"() ({
        %run_scoped3A_245 = tpu.sem_alloc : memref<!tpu.dma_semaphore, #tpu.memory_space<semaphore_mem>>
        %dma_start3A_246 = arith.constant 0 : i32
        %dma_start3A_247 = arith.constant 0 : i32
        %dma_start3A_248 = tpu.memref_slice %arg7[%run_scoped3A_168, %dma_start3A_246, %dma_start3A_247] : memref<6x128x64xf32, #tpu.memory_space<vmem>> -> memref<1x128x64xf32, #tpu.memory_space<vmem>>
        %dma_start3A_249 = tpu.memref_squeeze %dma_start3A_248 : memref<1x128x64xf32, #tpu.memory_space<vmem>> -> memref<128x64xf32, #tpu.memory_space<vmem>>
        %dma_start3A_250 = tpu.memref_slice %arg6[%mul3A_167] : memref<10000xi32, #tpu.memory_space<vmem>> -> memref<128xi32, #tpu.memory_space<vmem>>
        %dma_start3A_251 = arith.constant 0 : i32
        %dma_start3A_252 = arith.constant 0 : i32
        %dma_start3A_253 = tpu.memref_slice %arg8[%dma_start3A_251, %dma_start3A_252] : memref<10240x64xf32, #tpu.memory_space<vmem_shared>> -> memref<10240x64xf32, #tpu.memory_space<vmem_shared>>
        tpu.enqueue_indirect_dma source(%dma_start3A_249 : memref<128x64xf32, #tpu.memory_space<vmem>>) target(%dma_start3A_253 : memref<10240x64xf32, #tpu.memory_space<vmem_shared>>) offsets(%dma_start3A_250 : memref<128xi32, #tpu.memory_space<vmem>>) semaphore(%run_scoped3A_245 : memref<!tpu.dma_semaphore, #tpu.memory_space<semaphore_mem>>) {add = true}
        %dma_wait3A_254 = arith.constant 0 : i32
        %dma_wait3A_255 = arith.constant 0 : i32
        %dma_wait3A_256 = tpu.memref_slice %arg7[%run_scoped3A_168, %dma_wait3A_254, %dma_wait3A_255] : memref<6x128x64xf32, #tpu.memory_space<vmem>> -> memref<1x128x64xf32, #tpu.memory_space<vmem>>
        %dma_wait3A_257 = tpu.memref_squeeze %dma_wait3A_256 : memref<1x128x64xf32, #tpu.memory_space<vmem>> -> memref<128x64xf32, #tpu.memory_space<vmem>>
        %dma_wait3A_258 = tpu.memref_slice %arg6[%mul3A_167] : memref<10000xi32, #tpu.memory_space<vmem>> -> memref<128xi32, #tpu.memory_space<vmem>>
        %dma_wait3A_259 = arith.constant 0 : i32
        %dma_wait3A_260 = arith.constant 0 : i32
        %dma_wait3A_261 = tpu.memref_slice %arg8[%dma_wait3A_259, %dma_wait3A_260] : memref<10240x64xf32, #tpu.memory_space<vmem_shared>> -> memref<10240x64xf32, #tpu.memory_space<vmem_shared>>
        tpu.wait_indirect_dma semaphore(%run_scoped3A_245 : memref<!tpu.dma_semaphore, #tpu.memory_space<semaphore_mem>>) src(%dma_wait3A_257 : memref<128x64xf32, #tpu.memory_space<vmem>>) dst(%dma_wait3A_261 : memref<10240x64xf32, #tpu.memory_space<vmem_shared>>)
        tpu.yield
      }) : () -> ()
      %add3A_169 = arith.constant 6 : i32
      %add3A_170 = arith.addi %add3A_154, %add3A_169 : i32
      %lt3A_171 = arith.constant 78 : i32
      %lt3A_172 = arith.cmpi slt, %add3A_170, %lt3A_171 : i32
      %convert_element_type3A_173 = arith.extui %lt3A_172 : i1 to i32
      %cond3A_174 = arith.constant 0 : i32
      %cond3A_175 = arith.cmpi ne, %convert_element_type3A_173, %cond3A_174 : i32
      scf.if %cond3A_175 {
        %add3A_245 = arith.constant 6 : i32
        %add3A_246 = arith.addi %add3A_154, %add3A_245 : i32
        %mul3A_247 = arith.constant 128 : i32
        %mul3A_248 = arith.muli %add3A_246, %mul3A_247 : i32
        %dma_start3A_249 = arith.constant 2 : i32
        %dma_start3A_250 = arith.constant 0 : i32
        %dma_start3A_251 = arith.constant 0 : i32
        %dma_start3A_252 = tpu.memref_slice %arg7[%dma_start3A_249, %dma_start3A_250, %dma_start3A_251] : memref<6x128x64xf32, #tpu.memory_space<vmem>> -> memref<1x128x64xf32, #tpu.memory_space<vmem>>
        %dma_start3A_253 = tpu.memref_squeeze %dma_start3A_252 : memref<1x128x64xf32, #tpu.memory_space<vmem>> -> memref<128x64xf32, #tpu.memory_space<vmem>>
        %dma_start3A_254 = tpu.memref_slice %arg5[%mul3A_248] : memref<10000xi32, #tpu.memory_space<vmem>> -> memref<128xi32, #tpu.memory_space<vmem>>
        %dma_start3A_255 = arith.constant 0 : i32
        %dma_start3A_256 = arith.constant 0 : i32
        %dma_start3A_257 = tpu.memref_slice %arg2[%dma_start3A_255, %dma_start3A_256] : memref<10240x64xf32, #tpu.memory_space<hbm>> -> memref<10240x64xf32, #tpu.memory_space<hbm>>
        tpu.enqueue_indirect_dma source(%dma_start3A_257 : memref<10240x64xf32, #tpu.memory_space<hbm>>) target(%dma_start3A_253 : memref<128x64xf32, #tpu.memory_space<vmem>>) offsets(%dma_start3A_254 : memref<128xi32, #tpu.memory_space<vmem>>) semaphore(%arg11 : memref<!tpu.dma_semaphore, #tpu.memory_space<semaphore_mem>>)
      } else {
      }
      %add3A_176 = arith.constant 3 : i32
      %add3A_177 = arith.addi %add3A_109, %add3A_176 : i32
      %mul3A_178 = arith.constant 128 : i32
      %mul3A_179 = arith.muli %add3A_177, %mul3A_178 : i32
      %dma_wait3A_180 = arith.constant 3 : i32
      %dma_wait3A_181 = arith.constant 0 : i32
      %dma_wait3A_182 = arith.constant 0 : i32
      %dma_wait3A_183 = tpu.memref_slice %arg7[%dma_wait3A_180, %dma_wait3A_181, %dma_wait3A_182] : memref<6x128x64xf32, #tpu.memory_space<vmem>> -> memref<1x128x64xf32, #tpu.memory_space<vmem>>
      %dma_wait3A_184 = tpu.memref_squeeze %dma_wait3A_183 : memref<1x128x64xf32, #tpu.memory_space<vmem>> -> memref<128x64xf32, #tpu.memory_space<vmem>>
      %dma_wait3A_185 = tpu.memref_slice %arg5[%mul3A_179] : memref<10000xi32, #tpu.memory_space<vmem>> -> memref<128xi32, #tpu.memory_space<vmem>>
      %dma_wait3A_186 = arith.constant 0 : i32
      %dma_wait3A_187 = arith.constant 0 : i32
      %dma_wait3A_188 = tpu.memref_slice %arg2[%dma_wait3A_186, %dma_wait3A_187] : memref<10240x64xf32, #tpu.memory_space<hbm>> -> memref<10240x64xf32, #tpu.memory_space<hbm>>
      tpu.wait_indirect_dma semaphore(%arg12 : memref<!tpu.dma_semaphore, #tpu.memory_space<semaphore_mem>>) src(%dma_wait3A_188 : memref<10240x64xf32, #tpu.memory_space<hbm>>) dst(%dma_wait3A_184 : memref<128x64xf32, #tpu.memory_space<vmem>>)
      %mul3A_189 = arith.constant 128 : i32
      %mul3A_190 = arith.muli %add3A_177, %mul3A_189 : i32
      %run_scoped3A_191 = arith.constant 3 : i32
      "tpu.region"() ({
        %run_scoped3A_245 = tpu.sem_alloc : memref<!tpu.dma_semaphore, #tpu.memory_space<semaphore_mem>>
        %dma_start3A_246 = arith.constant 0 : i32
        %dma_start3A_247 = arith.constant 0 : i32
        %dma_start3A_248 = tpu.memref_slice %arg7[%run_scoped3A_191, %dma_start3A_246, %dma_start3A_247] : memref<6x128x64xf32, #tpu.memory_space<vmem>> -> memref<1x128x64xf32, #tpu.memory_space<vmem>>
        %dma_start3A_249 = tpu.memref_squeeze %dma_start3A_248 : memref<1x128x64xf32, #tpu.memory_space<vmem>> -> memref<128x64xf32, #tpu.memory_space<vmem>>
        %dma_start3A_250 = tpu.memref_slice %arg6[%mul3A_190] : memref<10000xi32, #tpu.memory_space<vmem>> -> memref<128xi32, #tpu.memory_space<vmem>>
        %dma_start3A_251 = arith.constant 0 : i32
        %dma_start3A_252 = arith.constant 0 : i32
        %dma_start3A_253 = tpu.memref_slice %arg8[%dma_start3A_251, %dma_start3A_252] : memref<10240x64xf32, #tpu.memory_space<vmem_shared>> -> memref<10240x64xf32, #tpu.memory_space<vmem_shared>>
        tpu.enqueue_indirect_dma source(%dma_start3A_249 : memref<128x64xf32, #tpu.memory_space<vmem>>) target(%dma_start3A_253 : memref<10240x64xf32, #tpu.memory_space<vmem_shared>>) offsets(%dma_start3A_250 : memref<128xi32, #tpu.memory_space<vmem>>) semaphore(%run_scoped3A_245 : memref<!tpu.dma_semaphore, #tpu.memory_space<semaphore_mem>>) {add = true}
        %dma_wait3A_254 = arith.constant 0 : i32
        %dma_wait3A_255 = arith.constant 0 : i32
        %dma_wait3A_256 = tpu.memref_slice %arg7[%run_scoped3A_191, %dma_wait3A_254, %dma_wait3A_255] : memref<6x128x64xf32, #tpu.memory_space<vmem>> -> memref<1x128x64xf32, #tpu.memory_space<vmem>>
        %dma_wait3A_257 = tpu.memref_squeeze %dma_wait3A_256 : memref<1x128x64xf32, #tpu.memory_space<vmem>> -> memref<128x64xf32, #tpu.memory_space<vmem>>
        %dma_wait3A_258 = tpu.memref_slice %arg6[%mul3A_190] : memref<10000xi32, #tpu.memory_space<vmem>> -> memref<128xi32, #tpu.memory_space<vmem>>
        %dma_wait3A_259 = arith.constant 0 : i32
        %dma_wait3A_260 = arith.constant 0 : i32
        %dma_wait3A_261 = tpu.memref_slice %arg8[%dma_wait3A_259, %dma_wait3A_260] : memref<10240x64xf32, #tpu.memory_space<vmem_shared>> -> memref<10240x64xf32, #tpu.memory_space<vmem_shared>>
        tpu.wait_indirect_dma semaphore(%run_scoped3A_245 : memref<!tpu.dma_semaphore, #tpu.memory_space<semaphore_mem>>) src(%dma_wait3A_257 : memref<128x64xf32, #tpu.memory_space<vmem>>) dst(%dma_wait3A_261 : memref<10240x64xf32, #tpu.memory_space<vmem_shared>>)
        tpu.yield
      }) : () -> ()
      %add3A_192 = arith.constant 6 : i32
      %add3A_193 = arith.addi %add3A_177, %add3A_192 : i32
      %lt3A_194 = arith.constant 78 : i32
      %lt3A_195 = arith.cmpi slt, %add3A_193, %lt3A_194 : i32
      %convert_element_type3A_196 = arith.extui %lt3A_195 : i1 to i32
      %cond3A_197 = arith.constant 0 : i32
      %cond3A_198 = arith.cmpi ne, %convert_element_type3A_196, %cond3A_197 : i32
      scf.if %cond3A_198 {
        %add3A_245 = arith.constant 6 : i32
        %add3A_246 = arith.addi %add3A_177, %add3A_245 : i32
        %mul3A_247 = arith.constant 128 : i32
        %mul3A_248 = arith.muli %add3A_246, %mul3A_247 : i32
        %dma_start3A_249 = arith.constant 3 : i32
        %dma_start3A_250 = arith.constant 0 : i32
        %dma_start3A_251 = arith.constant 0 : i32
        %dma_start3A_252 = tpu.memref_slice %arg7[%dma_start3A_249, %dma_start3A_250, %dma_start3A_251] : memref<6x128x64xf32, #tpu.memory_space<vmem>> -> memref<1x128x64xf32, #tpu.memory_space<vmem>>
        %dma_start3A_253 = tpu.memref_squeeze %dma_start3A_252 : memref<1x128x64xf32, #tpu.memory_space<vmem>> -> memref<128x64xf32, #tpu.memory_space<vmem>>
        %dma_start3A_254 = tpu.memref_slice %arg5[%mul3A_248] : memref<10000xi32, #tpu.memory_space<vmem>> -> memref<128xi32, #tpu.memory_space<vmem>>
        %dma_start3A_255 = arith.constant 0 : i32
        %dma_start3A_256 = arith.constant 0 : i32
        %dma_start3A_257 = tpu.memref_slice %arg2[%dma_start3A_255, %dma_start3A_256] : memref<10240x64xf32, #tpu.memory_space<hbm>> -> memref<10240x64xf32, #tpu.memory_space<hbm>>
        tpu.enqueue_indirect_dma source(%dma_start3A_257 : memref<10240x64xf32, #tpu.memory_space<hbm>>) target(%dma_start3A_253 : memref<128x64xf32, #tpu.memory_space<vmem>>) offsets(%dma_start3A_254 : memref<128xi32, #tpu.memory_space<vmem>>) semaphore(%arg12 : memref<!tpu.dma_semaphore, #tpu.memory_space<semaphore_mem>>)
      } else {
      }
      %add3A_199 = arith.constant 4 : i32
      %add3A_200 = arith.addi %add3A_109, %add3A_199 : i32
      %mul3A_201 = arith.constant 128 : i32
      %mul3A_202 = arith.muli %add3A_200, %mul3A_201 : i32
      %dma_wait3A_203 = arith.constant 4 : i32
      %dma_wait3A_204 = arith.constant 0 : i32
      %dma_wait3A_205 = arith.constant 0 : i32
      %dma_wait3A_206 = tpu.memref_slice %arg7[%dma_wait3A_203, %dma_wait3A_204, %dma_wait3A_205] : memref<6x128x64xf32, #tpu.memory_space<vmem>> -> memref<1x128x64xf32, #tpu.memory_space<vmem>>
      %dma_wait3A_207 = tpu.memref_squeeze %dma_wait3A_206 : memref<1x128x64xf32, #tpu.memory_space<vmem>> -> memref<128x64xf32, #tpu.memory_space<vmem>>
      %dma_wait3A_208 = tpu.memref_slice %arg5[%mul3A_202] : memref<10000xi32, #tpu.memory_space<vmem>> -> memref<128xi32, #tpu.memory_space<vmem>>
      %dma_wait3A_209 = arith.constant 0 : i32
      %dma_wait3A_210 = arith.constant 0 : i32
      %dma_wait3A_211 = tpu.memref_slice %arg2[%dma_wait3A_209, %dma_wait3A_210] : memref<10240x64xf32, #tpu.memory_space<hbm>> -> memref<10240x64xf32, #tpu.memory_space<hbm>>
      tpu.wait_indirect_dma semaphore(%arg13 : memref<!tpu.dma_semaphore, #tpu.memory_space<semaphore_mem>>) src(%dma_wait3A_211 : memref<10240x64xf32, #tpu.memory_space<hbm>>) dst(%dma_wait3A_207 : memref<128x64xf32, #tpu.memory_space<vmem>>)
      %mul3A_212 = arith.constant 128 : i32
      %mul3A_213 = arith.muli %add3A_200, %mul3A_212 : i32
      %run_scoped3A_214 = arith.constant 4 : i32
      "tpu.region"() ({
        %run_scoped3A_245 = tpu.sem_alloc : memref<!tpu.dma_semaphore, #tpu.memory_space<semaphore_mem>>
        %dma_start3A_246 = arith.constant 0 : i32
        %dma_start3A_247 = arith.constant 0 : i32
        %dma_start3A_248 = tpu.memref_slice %arg7[%run_scoped3A_214, %dma_start3A_246, %dma_start3A_247] : memref<6x128x64xf32, #tpu.memory_space<vmem>> -> memref<1x128x64xf32, #tpu.memory_space<vmem>>
        %dma_start3A_249 = tpu.memref_squeeze %dma_start3A_248 : memref<1x128x64xf32, #tpu.memory_space<vmem>> -> memref<128x64xf32, #tpu.memory_space<vmem>>
        %dma_start3A_250 = tpu.memref_slice %arg6[%mul3A_213] : memref<10000xi32, #tpu.memory_space<vmem>> -> memref<128xi32, #tpu.memory_space<vmem>>
        %dma_start3A_251 = arith.constant 0 : i32
        %dma_start3A_252 = arith.constant 0 : i32
        %dma_start3A_253 = tpu.memref_slice %arg8[%dma_start3A_251, %dma_start3A_252] : memref<10240x64xf32, #tpu.memory_space<vmem_shared>> -> memref<10240x64xf32, #tpu.memory_space<vmem_shared>>
        tpu.enqueue_indirect_dma source(%dma_start3A_249 : memref<128x64xf32, #tpu.memory_space<vmem>>) target(%dma_start3A_253 : memref<10240x64xf32, #tpu.memory_space<vmem_shared>>) offsets(%dma_start3A_250 : memref<128xi32, #tpu.memory_space<vmem>>) semaphore(%run_scoped3A_245 : memref<!tpu.dma_semaphore, #tpu.memory_space<semaphore_mem>>) {add = true}
        %dma_wait3A_254 = arith.constant 0 : i32
        %dma_wait3A_255 = arith.constant 0 : i32
        %dma_wait3A_256 = tpu.memref_slice %arg7[%run_scoped3A_214, %dma_wait3A_254, %dma_wait3A_255] : memref<6x128x64xf32, #tpu.memory_space<vmem>> -> memref<1x128x64xf32, #tpu.memory_space<vmem>>
        %dma_wait3A_257 = tpu.memref_squeeze %dma_wait3A_256 : memref<1x128x64xf32, #tpu.memory_space<vmem>> -> memref<128x64xf32, #tpu.memory_space<vmem>>
        %dma_wait3A_258 = tpu.memref_slice %arg6[%mul3A_213] : memref<10000xi32, #tpu.memory_space<vmem>> -> memref<128xi32, #tpu.memory_space<vmem>>
        %dma_wait3A_259 = arith.constant 0 : i32
        %dma_wait3A_260 = arith.constant 0 : i32
        %dma_wait3A_261 = tpu.memref_slice %arg8[%dma_wait3A_259, %dma_wait3A_260] : memref<10240x64xf32, #tpu.memory_space<vmem_shared>> -> memref<10240x64xf32, #tpu.memory_space<vmem_shared>>
        tpu.wait_indirect_dma semaphore(%run_scoped3A_245 : memref<!tpu.dma_semaphore, #tpu.memory_space<semaphore_mem>>) src(%dma_wait3A_257 : memref<128x64xf32, #tpu.memory_space<vmem>>) dst(%dma_wait3A_261 : memref<10240x64xf32, #tpu.memory_space<vmem_shared>>)
        tpu.yield
      }) : () -> ()
      %add3A_215 = arith.constant 6 : i32
      %add3A_216 = arith.addi %add3A_200, %add3A_215 : i32
      %lt3A_217 = arith.constant 78 : i32
      %lt3A_218 = arith.cmpi slt, %add3A_216, %lt3A_217 : i32
      %convert_element_type3A_219 = arith.extui %lt3A_218 : i1 to i32
      %cond3A_220 = arith.constant 0 : i32
      %cond3A_221 = arith.cmpi ne, %convert_element_type3A_219, %cond3A_220 : i32
      scf.if %cond3A_221 {
        %add3A_245 = arith.constant 6 : i32
        %add3A_246 = arith.addi %add3A_200, %add3A_245 : i32
        %mul3A_247 = arith.constant 128 : i32
        %mul3A_248 = arith.muli %add3A_246, %mul3A_247 : i32
        %dma_start3A_249 = arith.constant 4 : i32
        %dma_start3A_250 = arith.constant 0 : i32
        %dma_start3A_251 = arith.constant 0 : i32
        %dma_start3A_252 = tpu.memref_slice %arg7[%dma_start3A_249, %dma_start3A_250, %dma_start3A_251] : memref<6x128x64xf32, #tpu.memory_space<vmem>> -> memref<1x128x64xf32, #tpu.memory_space<vmem>>
        %dma_start3A_253 = tpu.memref_squeeze %dma_start3A_252 : memref<1x128x64xf32, #tpu.memory_space<vmem>> -> memref<128x64xf32, #tpu.memory_space<vmem>>
        %dma_start3A_254 = tpu.memref_slice %arg5[%mul3A_248] : memref<10000xi32, #tpu.memory_space<vmem>> -> memref<128xi32, #tpu.memory_space<vmem>>
        %dma_start3A_255 = arith.constant 0 : i32
        %dma_start3A_256 = arith.constant 0 : i32
        %dma_start3A_257 = tpu.memref_slice %arg2[%dma_start3A_255, %dma_start3A_256] : memref<10240x64xf32, #tpu.memory_space<hbm>> -> memref<10240x64xf32, #tpu.memory_space<hbm>>
        tpu.enqueue_indirect_dma source(%dma_start3A_257 : memref<10240x64xf32, #tpu.memory_space<hbm>>) target(%dma_start3A_253 : memref<128x64xf32, #tpu.memory_space<vmem>>) offsets(%dma_start3A_254 : memref<128xi32, #tpu.memory_space<vmem>>) semaphore(%arg13 : memref<!tpu.dma_semaphore, #tpu.memory_space<semaphore_mem>>)
      } else {
      }
      %add3A_222 = arith.constant 5 : i32
      %add3A_223 = arith.addi %add3A_109, %add3A_222 : i32
      %mul3A_224 = arith.constant 128 : i32
      %mul3A_225 = arith.muli %add3A_223, %mul3A_224 : i32
      %dma_wait3A_226 = arith.constant 5 : i32
      %dma_wait3A_227 = arith.constant 0 : i32
      %dma_wait3A_228 = arith.constant 0 : i32
      %dma_wait3A_229 = tpu.memref_slice %arg7[%dma_wait3A_226, %dma_wait3A_227, %dma_wait3A_228] : memref<6x128x64xf32, #tpu.memory_space<vmem>> -> memref<1x128x64xf32, #tpu.memory_space<vmem>>
      %dma_wait3A_230 = tpu.memref_squeeze %dma_wait3A_229 : memref<1x128x64xf32, #tpu.memory_space<vmem>> -> memref<128x64xf32, #tpu.memory_space<vmem>>
      %dma_wait3A_231 = tpu.memref_slice %arg5[%mul3A_225] : memref<10000xi32, #tpu.memory_space<vmem>> -> memref<128xi32, #tpu.memory_space<vmem>>
      %dma_wait3A_232 = arith.constant 0 : i32
      %dma_wait3A_233 = arith.constant 0 : i32
      %dma_wait3A_234 = tpu.memref_slice %arg2[%dma_wait3A_232, %dma_wait3A_233] : memref<10240x64xf32, #tpu.memory_space<hbm>> -> memref<10240x64xf32, #tpu.memory_space<hbm>>
      tpu.wait_indirect_dma semaphore(%arg14 : memref<!tpu.dma_semaphore, #tpu.memory_space<semaphore_mem>>) src(%dma_wait3A_234 : memref<10240x64xf32, #tpu.memory_space<hbm>>) dst(%dma_wait3A_230 : memref<128x64xf32, #tpu.memory_space<vmem>>)
      %mul3A_235 = arith.constant 128 : i32
      %mul3A_236 = arith.muli %add3A_223, %mul3A_235 : i32
      %run_scoped3A_237 = arith.constant 5 : i32
      "tpu.region"() ({
        %run_scoped3A_245 = tpu.sem_alloc : memref<!tpu.dma_semaphore, #tpu.memory_space<semaphore_mem>>
        %dma_start3A_246 = arith.constant 0 : i32
        %dma_start3A_247 = arith.constant 0 : i32
        %dma_start3A_248 = tpu.memref_slice %arg7[%run_scoped3A_237, %dma_start3A_246, %dma_start3A_247] : memref<6x128x64xf32, #tpu.memory_space<vmem>> -> memref<1x128x64xf32, #tpu.memory_space<vmem>>
        %dma_start3A_249 = tpu.memref_squeeze %dma_start3A_248 : memref<1x128x64xf32, #tpu.memory_space<vmem>> -> memref<128x64xf32, #tpu.memory_space<vmem>>
        %dma_start3A_250 = tpu.memref_slice %arg6[%mul3A_236] : memref<10000xi32, #tpu.memory_space<vmem>> -> memref<128xi32, #tpu.memory_space<vmem>>
        %dma_start3A_251 = arith.constant 0 : i32
        %dma_start3A_252 = arith.constant 0 : i32
        %dma_start3A_253 = tpu.memref_slice %arg8[%dma_start3A_251, %dma_start3A_252] : memref<10240x64xf32, #tpu.memory_space<vmem_shared>> -> memref<10240x64xf32, #tpu.memory_space<vmem_shared>>
        tpu.enqueue_indirect_dma source(%dma_start3A_249 : memref<128x64xf32, #tpu.memory_space<vmem>>) target(%dma_start3A_253 : memref<10240x64xf32, #tpu.memory_space<vmem_shared>>) offsets(%dma_start3A_250 : memref<128xi32, #tpu.memory_space<vmem>>) semaphore(%run_scoped3A_245 : memref<!tpu.dma_semaphore, #tpu.memory_space<semaphore_mem>>) {add = true}
        %dma_wait3A_254 = arith.constant 0 : i32
        %dma_wait3A_255 = arith.constant 0 : i32
        %dma_wait3A_256 = tpu.memref_slice %arg7[%run_scoped3A_237, %dma_wait3A_254, %dma_wait3A_255] : memref<6x128x64xf32, #tpu.memory_space<vmem>> -> memref<1x128x64xf32, #tpu.memory_space<vmem>>
        %dma_wait3A_257 = tpu.memref_squeeze %dma_wait3A_256 : memref<1x128x64xf32, #tpu.memory_space<vmem>> -> memref<128x64xf32, #tpu.memory_space<vmem>>
        %dma_wait3A_258 = tpu.memref_slice %arg6[%mul3A_236] : memref<10000xi32, #tpu.memory_space<vmem>> -> memref<128xi32, #tpu.memory_space<vmem>>
        %dma_wait3A_259 = arith.constant 0 : i32
        %dma_wait3A_260 = arith.constant 0 : i32
        %dma_wait3A_261 = tpu.memref_slice %arg8[%dma_wait3A_259, %dma_wait3A_260] : memref<10240x64xf32, #tpu.memory_space<vmem_shared>> -> memref<10240x64xf32, #tpu.memory_space<vmem_shared>>
        tpu.wait_indirect_dma semaphore(%run_scoped3A_245 : memref<!tpu.dma_semaphore, #tpu.memory_space<semaphore_mem>>) src(%dma_wait3A_257 : memref<128x64xf32, #tpu.memory_space<vmem>>) dst(%dma_wait3A_261 : memref<10240x64xf32, #tpu.memory_space<vmem_shared>>)
        tpu.yield
      }) : () -> ()
      %add3A_238 = arith.constant 6 : i32
      %add3A_239 = arith.addi %add3A_223, %add3A_238 : i32
      %lt3A_240 = arith.constant 78 : i32
      %lt3A_241 = arith.cmpi slt, %add3A_239, %lt3A_240 : i32
      %convert_element_type3A_242 = arith.extui %lt3A_241 : i1 to i32
      %cond3A_243 = arith.constant 0 : i32
      %cond3A_244 = arith.cmpi ne, %convert_element_type3A_242, %cond3A_243 : i32
      scf.if %cond3A_244 {
        %add3A_245 = arith.constant 6 : i32
        %add3A_246 = arith.addi %add3A_223, %add3A_245 : i32
        %mul3A_247 = arith.constant 128 : i32
        %mul3A_248 = arith.muli %add3A_246, %mul3A_247 : i32
        %dma_start3A_249 = arith.constant 5 : i32
        %dma_start3A_250 = arith.constant 0 : i32
        %dma_start3A_251 = arith.constant 0 : i32
        %dma_start3A_252 = tpu.memref_slice %arg7[%dma_start3A_249, %dma_start3A_250, %dma_start3A_251] : memref<6x128x64xf32, #tpu.memory_space<vmem>> -> memref<1x128x64xf32, #tpu.memory_space<vmem>>
        %dma_start3A_253 = tpu.memref_squeeze %dma_start3A_252 : memref<1x128x64xf32, #tpu.memory_space<vmem>> -> memref<128x64xf32, #tpu.memory_space<vmem>>
        %dma_start3A_254 = tpu.memref_slice %arg5[%mul3A_248] : memref<10000xi32, #tpu.memory_space<vmem>> -> memref<128xi32, #tpu.memory_space<vmem>>
        %dma_start3A_255 = arith.constant 0 : i32
        %dma_start3A_256 = arith.constant 0 : i32
        %dma_start3A_257 = tpu.memref_slice %arg2[%dma_start3A_255, %dma_start3A_256] : memref<10240x64xf32, #tpu.memory_space<hbm>> -> memref<10240x64xf32, #tpu.memory_space<hbm>>
        tpu.enqueue_indirect_dma source(%dma_start3A_257 : memref<10240x64xf32, #tpu.memory_space<hbm>>) target(%dma_start3A_253 : memref<128x64xf32, #tpu.memory_space<vmem>>) offsets(%dma_start3A_254 : memref<128xi32, #tpu.memory_space<vmem>>) semaphore(%arg14 : memref<!tpu.dma_semaphore, #tpu.memory_space<semaphore_mem>>)
      } else {
      }
    }
    %scan3A_79 = arith.constant 13 : i32
    %dma_start3A_80 = arith.constant 0 : i32
    %dma_start3A_81 = arith.constant 0 : i32
    %dma_start3A_82 = arith.constant 0 : i32
    %dma_start3A_83 = tpu.memref_slice %arg7[%dma_start3A_80, %dma_start3A_81, %dma_start3A_82] : memref<6x128x64xf32, #tpu.memory_space<vmem>> -> memref<1x16x64xf32, #tpu.memory_space<vmem>>
    %dma_start3A_84 = tpu.memref_squeeze %dma_start3A_83 : memref<1x16x64xf32, #tpu.memory_space<vmem>> -> memref<16x64xf32, #tpu.memory_space<vmem>>
    %dma_start3A_85 = arith.constant 9984 : i32
    %dma_start3A_86 = tpu.memref_slice %arg5[%dma_start3A_85] : memref<10000xi32, #tpu.memory_space<vmem>> -> memref<16xi32, #tpu.memory_space<vmem>>
    %dma_start3A_87 = arith.constant 0 : i32
    %dma_start3A_88 = arith.constant 0 : i32
    %dma_start3A_89 = tpu.memref_slice %arg2[%dma_start3A_87, %dma_start3A_88] : memref<10240x64xf32, #tpu.memory_space<hbm>> -> memref<10240x64xf32, #tpu.memory_space<hbm>>
    tpu.enqueue_indirect_dma source(%dma_start3A_89 : memref<10240x64xf32, #tpu.memory_space<hbm>>) target(%dma_start3A_84 : memref<16x64xf32, #tpu.memory_space<vmem>>) offsets(%dma_start3A_86 : memref<16xi32, #tpu.memory_space<vmem>>) semaphore(%arg9 : memref<!tpu.dma_semaphore, #tpu.memory_space<semaphore_mem>>)
    %dma_wait3A = arith.constant 0 : i32
    %dma_wait3A_90 = arith.constant 0 : i32
    %dma_wait3A_91 = arith.constant 0 : i32
    %dma_wait3A_92 = tpu.memref_slice %arg7[%dma_wait3A, %dma_wait3A_90, %dma_wait3A_91] : memref<6x128x64xf32, #tpu.memory_space<vmem>> -> memref<1x16x64xf32, #tpu.memory_space<vmem>>
    %dma_wait3A_93 = tpu.memref_squeeze %dma_wait3A_92 : memref<1x16x64xf32, #tpu.memory_space<vmem>> -> memref<16x64xf32, #tpu.memory_space<vmem>>
    %dma_wait3A_94 = arith.constant 9984 : i32
    %dma_wait3A_95 = tpu.memref_slice %arg5[%dma_wait3A_94] : memref<10000xi32, #tpu.memory_space<vmem>> -> memref<16xi32, #tpu.memory_space<vmem>>
    %dma_wait3A_96 = arith.constant 0 : i32
    %dma_wait3A_97 = arith.constant 0 : i32
    %dma_wait3A_98 = tpu.memref_slice %arg2[%dma_wait3A_96, %dma_wait3A_97] : memref<10240x64xf32, #tpu.memory_space<hbm>> -> memref<10240x64xf32, #tpu.memory_space<hbm>>
    tpu.wait_indirect_dma semaphore(%arg9 : memref<!tpu.dma_semaphore, #tpu.memory_space<semaphore_mem>>) src(%dma_wait3A_98 : memref<10240x64xf32, #tpu.memory_space<hbm>>) dst(%dma_wait3A_93 : memref<16x64xf32, #tpu.memory_space<vmem>>)
    %run_scoped3A_99 = arith.constant 0 : i32
    "tpu.region"() ({
      %run_scoped3A_105 = tpu.sem_alloc : memref<!tpu.dma_semaphore, #tpu.memory_space<semaphore_mem>>
      %dma_start3A_106 = arith.constant 0 : i32
      %dma_start3A_107 = arith.constant 0 : i32
      %dma_start3A_108 = tpu.memref_slice %arg7[%run_scoped3A_99, %dma_start3A_106, %dma_start3A_107] : memref<6x128x64xf32, #tpu.memory_space<vmem>> -> memref<1x16x64xf32, #tpu.memory_space<vmem>>
      %dma_start3A_109 = tpu.memref_squeeze %dma_start3A_108 : memref<1x16x64xf32, #tpu.memory_space<vmem>> -> memref<16x64xf32, #tpu.memory_space<vmem>>
      %dma_start3A_110 = arith.constant 9984 : i32
      %dma_start3A_111 = tpu.memref_slice %arg6[%dma_start3A_110] : memref<10000xi32, #tpu.memory_space<vmem>> -> memref<16xi32, #tpu.memory_space<vmem>>
      %dma_start3A_112 = arith.constant 0 : i32
      %dma_start3A_113 = arith.constant 0 : i32
      %dma_start3A_114 = tpu.memref_slice %arg8[%dma_start3A_112, %dma_start3A_113] : memref<10240x64xf32, #tpu.memory_space<vmem_shared>> -> memref<10240x64xf32, #tpu.memory_space<vmem_shared>>
      tpu.enqueue_indirect_dma source(%dma_start3A_109 : memref<16x64xf32, #tpu.memory_space<vmem>>) target(%dma_start3A_114 : memref<10240x64xf32, #tpu.memory_space<vmem_shared>>) offsets(%dma_start3A_111 : memref<16xi32, #tpu.memory_space<vmem>>) semaphore(%run_scoped3A_105 : memref<!tpu.dma_semaphore, #tpu.memory_space<semaphore_mem>>) {add = true}
      %dma_wait3A_115 = arith.constant 0 : i32
      %dma_wait3A_116 = arith.constant 0 : i32
      %dma_wait3A_117 = tpu.memref_slice %arg7[%run_scoped3A_99, %dma_wait3A_115, %dma_wait3A_116] : memref<6x128x64xf32, #tpu.memory_space<vmem>> -> memref<1x16x64xf32, #tpu.memory_space<vmem>>
      %dma_wait3A_118 = tpu.memref_squeeze %dma_wait3A_117 : memref<1x16x64xf32, #tpu.memory_space<vmem>> -> memref<16x64xf32, #tpu.memory_space<vmem>>
      %dma_wait3A_119 = arith.constant 9984 : i32
      %dma_wait3A_120 = tpu.memref_slice %arg6[%dma_wait3A_119] : memref<10000xi32, #tpu.memory_space<vmem>> -> memref<16xi32, #tpu.memory_space<vmem>>
      %dma_wait3A_121 = arith.constant 0 : i32
      %dma_wait3A_122 = arith.constant 0 : i32
      %dma_wait3A_123 = tpu.memref_slice %arg8[%dma_wait3A_121, %dma_wait3A_122] : memref<10240x64xf32, #tpu.memory_space<vmem_shared>> -> memref<10240x64xf32, #tpu.memory_space<vmem_shared>>
      tpu.wait_indirect_dma semaphore(%run_scoped3A_105 : memref<!tpu.dma_semaphore, #tpu.memory_space<semaphore_mem>>) src(%dma_wait3A_118 : memref<16x64xf32, #tpu.memory_space<vmem>>) dst(%dma_wait3A_123 : memref<10240x64xf32, #tpu.memory_space<vmem_shared>>)
      tpu.yield
    }) : () -> ()
    %barrier3A_100 = arith.constant 0 : index
    tpu.barrier barrier_id(%barrier3A_100)
    %mul3A_101 = arith.constant 640 : i32
    %mul3A_102 = arith.muli %arg1, %mul3A_101 : i32
    %mul3A_103 = arith.constant 640 : i32
    %mul3A_104 = arith.muli %arg1, %mul3A_103 : i32
    "tpu.region"() ({
      %run_scoped3A_105 = tpu.sem_alloc : memref<!tpu.dma_semaphore, #tpu.memory_space<semaphore_mem>>
      %dma_start3A_106 = arith.constant 0 : i32
      %dma_start3A_107 = tpu.memref_slice %arg4[%arg0, %mul3A_104, %dma_start3A_106] : memref<2x10240x64xf32, #tpu.memory_space<hbm>> -> memref<1x640x64xf32, #tpu.memory_space<hbm>>
      %dma_start3A_108 = tpu.memref_squeeze %dma_start3A_107 : memref<1x640x64xf32, #tpu.memory_space<hbm>> -> memref<640x64xf32, #tpu.memory_space<hbm>>
      %dma_start3A_109 = arith.constant 0 : i32
      %dma_start3A_110 = tpu.memref_slice %arg8[%mul3A_102, %dma_start3A_109] : memref<10240x64xf32, #tpu.memory_space<vmem_shared>> -> memref<640x64xf32, #tpu.memory_space<vmem_shared>>
      tpu.enqueue_dma source(%dma_start3A_110 : memref<640x64xf32, #tpu.memory_space<vmem_shared>>) target(%dma_start3A_108 : memref<640x64xf32, #tpu.memory_space<hbm>>) target_semaphore(%run_scoped3A_105 : memref<!tpu.dma_semaphore, #tpu.memory_space<semaphore_mem>>)
      %dma_wait3A_111 = arith.constant 0 : i32
      %dma_wait3A_112 = tpu.memref_slice %arg4[%arg0, %mul3A_104, %dma_wait3A_111] : memref<2x10240x64xf32, #tpu.memory_space<hbm>> -> memref<1x640x64xf32, #tpu.memory_space<hbm>>
      %dma_wait3A_113 = tpu.memref_squeeze %dma_wait3A_112 : memref<1x640x64xf32, #tpu.memory_space<hbm>> -> memref<640x64xf32, #tpu.memory_space<hbm>>
      %dma_wait3A_114 = arith.constant 0 : i32
      %dma_wait3A_115 = tpu.memref_slice %arg8[%mul3A_102, %dma_wait3A_114] : memref<10240x64xf32, #tpu.memory_space<vmem_shared>> -> memref<640x64xf32, #tpu.memory_space<vmem_shared>>
      tpu.wait_dma2 semaphore(%run_scoped3A_105 : memref<!tpu.dma_semaphore, #tpu.memory_space<semaphore_mem>>) src(%dma_wait3A_115 : memref<640x64xf32, #tpu.memory_space<vmem_shared>>) dst(%dma_wait3A_113 : memref<640x64xf32, #tpu.memory_space<hbm>>)
      tpu.yield
    }) : () -> ()
    return
  }
}

module attributes {stable_mosaic.version = 14 : i64} {
  func.func @body(%arg0: i32, %arg1: memref<32x1024xf32, #tpu.memory_space<vmem>>, %arg2: memref<1024x128xf32, #tpu.memory_space<vmem>>, %arg3: memref<128x64xf32, #tpu.memory_space<vmem>>, %arg4: memref<1024x64xf32, #tpu.memory_space<vmem>>, %arg5: memref<8x128xf32, #tpu.memory_space<vmem>>) attributes {dimension_semantics = [#tpu.dimension_semantics<arbitrary>], iteration_bounds = array<i64: 10>, scalar_prefetch = 0 : i64, scratch_operands = 0 : i64, tpu.core_type = #tpu.core_type<tc>, window_params = [{transform_indices = @transform_0, window_bounds = array<i64: 32, 1024>}, {transform_indices = @transform_1, window_bounds = array<i64: 1024, 128>}, {pipeline_mode = #tpu.pipeline_mode<synchronous>, transform_indices = @transform_2, window_bounds = array<i64: 128, 64>}, {transform_indices = @transform_3, window_bounds = array<i64: 1024, 64>}, {transform_indices = @transform_4, window_bounds = array<i64: 8, 128>}]} {
    %get3A = arith.constant 0 : index
    %get3A_0 = arith.constant 0 : index
    %get3A_1 = vector.load %arg1[%get3A, %get3A_0] : memref<32x1024xf32, #tpu.memory_space<vmem>>, vector<32x1024xf32>
    %reduce_sum3A = arith.constant dense<0.000000e+00> : vector<1024xf32>
    %reduce_sum3A_2 = vector.multi_reduction <add>, %get3A_1, %reduce_sum3A [0] : vector<32x1024xf32> to vector<1024xf32>
    %broadcast_in_dim3A = vector.shape_cast %reduce_sum3A_2 : vector<1024xf32> to vector<1024x1xf32>
    %add3A = arith.constant 1.000000e+00 : f32
    %add3A_3 = vector.broadcast %add3A : f32 to vector<1024x1xf32>
    %add3A_4 = arith.addf %broadcast_in_dim3A, %add3A_3 : vector<1024x1xf32>
    %rsqrt3A = math.rsqrt %add3A_4 : vector<1024x1xf32>
    %mul3A = arith.constant 1024 : i32
    %mul3A_5 = arith.muli %arg0, %mul3A : i32
    %iota3A = tpu.iota {dimensions = array<i32: 0>} : vector<1024x1xi32>
    %add3A_6 = vector.broadcast %mul3A_5 : i32 to vector<1024x1xi32>
    %add3A_7 = arith.addi %add3A_6, %iota3A : vector<1024x1xi32>
    %lt3A = arith.constant 10000 : i32
    %lt3A_8 = vector.broadcast %lt3A : i32 to vector<1024x1xi32>
    %lt3A_9 = arith.cmpi slt, %add3A_7, %lt3A_8 : vector<1024x1xi32>
    %jit3A = arith.constant 0.000000e+00 : f32
    %broadcast_in_dim3A_10 = vector.broadcast %jit3A : f32 to vector<1024x1xf32>
    %select_n3A = arith.select %lt3A_9, %rsqrt3A, %broadcast_in_dim3A_10 : vector<1024x1xi1>, vector<1024x1xf32>
    %reshape3A = vector.shape_cast %select_n3A : vector<1024x1xf32> to vector<8x128xf32>
    %swap3A = arith.constant 0 : index
    %swap3A_11 = arith.constant 0 : index
    %swap3A_12 = vector.load %arg5[%swap3A, %swap3A_11] : memref<8x128xf32, #tpu.memory_space<vmem>>, vector<8x128xf32>
    tpu.vector_store %arg5[%swap3A, %swap3A_11], %reshape3A {strides = array<i32>} : memref<8x128xf32, #tpu.memory_space<vmem>>, vector<8x128xf32>,
    %get3A_13 = arith.constant 0 : index
    %get3A_14 = arith.constant 0 : index
    %get3A_15 = vector.load %arg2[%get3A_13, %get3A_14] : memref<1024x128xf32, #tpu.memory_space<vmem>>, vector<1024x128xf32>
    %get3A_16 = arith.constant 0 : index
    %get3A_17 = arith.constant 0 : index
    %get3A_18 = vector.load %arg3[%get3A_16, %get3A_17] : memref<128x64xf32, #tpu.memory_space<vmem>>, vector<128x64xf32>
    %dot_general3A = arith.constant dense<0.000000e+00> : vector<1024x64xf32>
    %dot_general3A_19 = tpu.matmul %get3A_15, %get3A_18, %dot_general3A {dimension_numbers = #tpu.dot_dimension_numbers<[1], [0], [0], [1], [0, 0, 1, 1], [], []>, transpose_lhs_hint = false} : vector<1024x128xf32>, vector<128x64xf32>, vector<1024x64xf32> -> vector<1024x64xf32>
    %mul3A_20 = vector.broadcast %select_n3A : vector<1024x1xf32> to vector<1024x64xf32>
    %mul3A_21 = arith.mulf %dot_general3A_19, %mul3A_20 : vector<1024x64xf32>
    %swap3A_22 = arith.constant 0 : index
    %swap3A_23 = arith.constant 0 : index
    %swap3A_24 = vector.load %arg4[%swap3A_22, %swap3A_23] : memref<1024x64xf32, #tpu.memory_space<vmem>>, vector<1024x64xf32>
    tpu.vector_store %arg4[%swap3A_22, %swap3A_23], %mul3A_21 {strides = array<i32>} : memref<1024x64xf32, #tpu.memory_space<vmem>>, vector<1024x64xf32>,
    return
  }
  func.func @transform_0(%arg0: i32) -> (i32, i32) {
    %c0_i32 = arith.constant 0 : i32
    %c0_i32_0 = arith.constant 0 : i32
    return %c0_i32, %arg0 : i32, i32
  }
  func.func @transform_1(%arg0: i32) -> (i32, i32) {
    %c0_i32 = arith.constant 0 : i32
    %c0_i32_0 = arith.constant 0 : i32
    return %arg0, %c0_i32 : i32, i32
  }
  func.func @transform_2(%arg0: i32) -> (i32, i32) {
    %c0_i32 = arith.constant 0 : i32
    %c0_i32_0 = arith.constant 0 : i32
    %c0_i32_1 = arith.constant 0 : i32
    return %c0_i32, %c0_i32_0 : i32, i32
  }
  func.func @transform_3(%arg0: i32) -> (i32, i32) {
    %c0_i32 = arith.constant 0 : i32
    %c0_i32_0 = arith.constant 0 : i32
    return %arg0, %c0_i32 : i32, i32
  }
  func.func @transform_4(%arg0: i32) -> (i32, i32) {
    %c0_i32 = arith.constant 0 : i32
    %c0_i32_0 = arith.constant 0 : i32
    return %arg0, %c0_i32 : i32, i32
  }
}

module attributes {stable_mosaic.version = 14 : i64} {
  func.func @body(%arg0: i32, %arg1: memref<2x1024x64xf32, #tpu.memory_space<vmem>>, %arg2: memref<1024x64xf32, #tpu.memory_space<vmem>>, %arg3: memref<32x1024xf32, #tpu.memory_space<vmem>>, %arg4: memref<1x64xf32, #tpu.memory_space<vmem>>, %arg5: memref<1x64xf32, #tpu.memory_space<vmem>>, %arg6: memref<8x128xf32, #tpu.memory_space<vmem>>) attributes {dimension_semantics = [#tpu.dimension_semantics<arbitrary>], iteration_bounds = array<i64: 10>, scalar_prefetch = 0 : i64, scratch_operands = 0 : i64, tpu.core_type = #tpu.core_type<tc>, window_params = [{transform_indices = @transform_0, window_bounds = array<i64: 2, 1024, 64>}, {transform_indices = @transform_1, window_bounds = array<i64: 1024, 64>}, {transform_indices = @transform_2, window_bounds = array<i64: 32, 1024>}, {pipeline_mode = #tpu.pipeline_mode<synchronous>, transform_indices = @transform_3, window_bounds = array<i64: 1, 64>}, {pipeline_mode = #tpu.pipeline_mode<synchronous>, transform_indices = @transform_4, window_bounds = array<i64: 1, 64>}, {transform_indices = @transform_5, window_bounds = array<i64: 8, 128>}]} {
    %get3A = arith.constant 0 : index
    %get3A_0 = arith.constant 0 : index
    %get3A_1 = vector.load %arg3[%get3A, %get3A_0] : memref<32x1024xf32, #tpu.memory_space<vmem>>, vector<32x1024xf32>
    %reduce_sum3A = arith.constant dense<0.000000e+00> : vector<1024xf32>
    %reduce_sum3A_2 = vector.multi_reduction <add>, %get3A_1, %reduce_sum3A [0] : vector<32x1024xf32> to vector<1024xf32>
    %broadcast_in_dim3A = vector.shape_cast %reduce_sum3A_2 : vector<1024xf32> to vector<1024x1xf32>
    %add3A = arith.constant 1.000000e+00 : f32
    %add3A_3 = vector.broadcast %add3A : f32 to vector<1024x1xf32>
    %add3A_4 = arith.addf %broadcast_in_dim3A, %add3A_3 : vector<1024x1xf32>
    %rsqrt3A = math.rsqrt %add3A_4 : vector<1024x1xf32>
    %mul3A = arith.constant 1024 : i32
    %mul3A_5 = arith.muli %arg0, %mul3A : i32
    %iota3A = tpu.iota {dimensions = array<i32: 0>} : vector<1024x1xi32>
    %add3A_6 = vector.broadcast %mul3A_5 : i32 to vector<1024x1xi32>
    %add3A_7 = arith.addi %add3A_6, %iota3A : vector<1024x1xi32>
    %lt3A = arith.constant 10000 : i32
    %lt3A_8 = vector.broadcast %lt3A : i32 to vector<1024x1xi32>
    %lt3A_9 = arith.cmpi slt, %add3A_7, %lt3A_8 : vector<1024x1xi32>
    %jit3A = arith.constant 0.000000e+00 : f32
    %broadcast_in_dim3A_10 = vector.broadcast %jit3A : f32 to vector<1024x1xf32>
    %select_n3A = arith.select %lt3A_9, %rsqrt3A, %broadcast_in_dim3A_10 : vector<1024x1xi1>, vector<1024x1xf32>
    %get3A_11 = arith.constant 0 : index
    %get3A_12 = arith.constant 0 : index
    %get3A_13 = arith.constant 0 : index
    %get3A_14 = vector.load %arg1[%get3A_11, %get3A_12, %get3A_13] : memref<2x1024x64xf32, #tpu.memory_space<vmem>>, vector<1x1024x64xf32>
    %get3A_15 = vector.shape_cast %get3A_14 : vector<1x1024x64xf32> to vector<1024x64xf32>
    %get3A_16 = arith.constant 1 : index
    %get3A_17 = arith.constant 0 : index
    %get3A_18 = arith.constant 0 : index
    %get3A_19 = vector.load %arg1[%get3A_16, %get3A_17, %get3A_18] : memref<2x1024x64xf32, #tpu.memory_space<vmem>>, vector<1x1024x64xf32>
    %get3A_20 = vector.shape_cast %get3A_19 : vector<1x1024x64xf32> to vector<1024x64xf32>
    %add3A_21 = arith.addf %get3A_15, %get3A_20 : vector<1024x64xf32>
    %get3A_22 = arith.constant 0 : index
    %get3A_23 = arith.constant 0 : index
    %get3A_24 = vector.load %arg2[%get3A_22, %get3A_23] : memref<1024x64xf32, #tpu.memory_space<vmem>>, vector<1024x64xf32>
    %add3A_25 = arith.addf %add3A_21, %get3A_24 : vector<1024x64xf32>
    %mul3A_26 = vector.broadcast %select_n3A : vector<1024x1xf32> to vector<1024x64xf32>
    %mul3A_27 = arith.mulf %add3A_25, %mul3A_26 : vector<1024x64xf32>
    %get3A_28 = arith.constant 0 : index
    %get3A_29 = arith.constant 0 : index
    %get3A_30 = vector.load %arg4[%get3A_28, %get3A_29] : memref<1x64xf32, #tpu.memory_space<vmem>>, vector<1x64xf32>
    %add3A_31 = vector.broadcast %get3A_30 : vector<1x64xf32> to vector<1024x64xf32>
    %add3A_32 = arith.addf %mul3A_27, %add3A_31 : vector<1024x64xf32>
    %max3A = arith.constant 0.000000e+00 : f32
    %max3A_33 = vector.broadcast %max3A : f32 to vector<1024x64xf32>
    %max3A_34 = arith.maximumf %add3A_32, %max3A_33 : vector<1024x64xf32>
    %get3A_35 = arith.constant 0 : index
    %get3A_36 = arith.constant 0 : index
    %get3A_37 = vector.load %arg5[%get3A_35, %get3A_36] : memref<1x64xf32, #tpu.memory_space<vmem>>, vector<1x64xf32>
    %mul3A_38 = vector.broadcast %get3A_37 : vector<1x64xf32> to vector<1024x64xf32>
    %mul3A_39 = arith.mulf %max3A_34, %mul3A_38 : vector<1024x64xf32>
    %reduce_sum3A_40 = arith.constant dense<0.000000e+00> : vector<1024xf32>
    %reduce_sum3A_41 = vector.multi_reduction <add>, %mul3A_39, %reduce_sum3A_40 [1] : vector<1024x64xf32> to vector<1024xf32>
    %broadcast_in_dim3A_42 = vector.shape_cast %reduce_sum3A_41 : vector<1024xf32> to vector<1024x1xf32>
    %mul3A_43 = arith.mulf %broadcast_in_dim3A_42, %select_n3A : vector<1024x1xf32>
    %reshape3A = vector.shape_cast %mul3A_43 : vector<1024x1xf32> to vector<8x128xf32>
    %swap3A = arith.constant 0 : index
    %swap3A_44 = arith.constant 0 : index
    %swap3A_45 = vector.load %arg6[%swap3A, %swap3A_44] : memref<8x128xf32, #tpu.memory_space<vmem>>, vector<8x128xf32>
    tpu.vector_store %arg6[%swap3A, %swap3A_44], %reshape3A {strides = array<i32>} : memref<8x128xf32, #tpu.memory_space<vmem>>, vector<8x128xf32>,
    return
  }
  func.func @transform_0(%arg0: i32) -> (i32, i32, i32) {
    %c0_i32 = arith.constant 0 : i32
    %c0_i32_0 = arith.constant 0 : i32
    %c0_i32_1 = arith.constant 0 : i32
    return %c0_i32, %arg0, %c0_i32_0 : i32, i32, i32
  }
  func.func @transform_1(%arg0: i32) -> (i32, i32) {
    %c0_i32 = arith.constant 0 : i32
    %c0_i32_0 = arith.constant 0 : i32
    return %arg0, %c0_i32 : i32, i32
  }
  func.func @transform_2(%arg0: i32) -> (i32, i32) {
    %c0_i32 = arith.constant 0 : i32
    %c0_i32_0 = arith.constant 0 : i32
    return %c0_i32, %arg0 : i32, i32
  }
  func.func @transform_3(%arg0: i32) -> (i32, i32) {
    %c0_i32 = arith.constant 0 : i32
    %c0_i32_0 = arith.constant 0 : i32
    %c0_i32_1 = arith.constant 0 : i32
    return %c0_i32, %c0_i32_0 : i32, i32
  }
  func.func @transform_4(%arg0: i32) -> (i32, i32) {
    %c0_i32 = arith.constant 0 : i32
    %c0_i32_0 = arith.constant 0 : i32
    %c0_i32_1 = arith.constant 0 : i32
    return %c0_i32, %c0_i32_0 : i32, i32
  }
  func.func @transform_5(%arg0: i32) -> (i32, i32) {
    %c0_i32 = arith.constant 0 : i32
    %c0_i32_0 = arith.constant 0 : i32
    return %arg0, %c0_i32 : i32, i32
  }
}

module attributes {stable_mosaic.version = 14 : i64} {
  func.func @body(%arg0: i32, %arg1: memref<32x2048xf32, #tpu.memory_space<vmem>>, %arg2: memref<16x128xf32, #tpu.memory_space<vmem>>, %arg3: memref<16x128xf32, #tpu.memory_space<vmem>>, %arg4: memref<1x1xf32, #tpu.memory_space<vmem>>, %arg5: memref<16x128xf32, #tpu.memory_space<vmem>>) attributes {dimension_semantics = [#tpu.dimension_semantics<arbitrary>], iteration_bounds = array<i64: 5>, scalar_prefetch = 0 : i64, scratch_operands = 0 : i64, tpu.core_type = #tpu.core_type<tc>, window_params = [{transform_indices = @transform_0, window_bounds = array<i64: 32, 2048>}, {transform_indices = @transform_1, window_bounds = array<i64: 16, 128>}, {transform_indices = @transform_2, window_bounds = array<i64: 16, 128>}, {pipeline_mode = #tpu.pipeline_mode<synchronous>, transform_indices = @transform_3, window_bounds = array<i64: 1, 1>}, {transform_indices = @transform_4, window_bounds = array<i64: 16, 128>}]} {
    %get3A = arith.constant 0 : index
    %get3A_0 = arith.constant 0 : index
    %get3A_1 = vector.load %arg1[%get3A, %get3A_0] : memref<32x2048xf32, #tpu.memory_space<vmem>>, vector<32x2048xf32>
    %reduce_sum3A = arith.constant dense<0.000000e+00> : vector<2048xf32>
    %reduce_sum3A_2 = vector.multi_reduction <add>, %get3A_1, %reduce_sum3A [0] : vector<32x2048xf32> to vector<2048xf32>
    %reshape3A = vector.shape_cast %reduce_sum3A_2 : vector<2048xf32> to vector<16x128xf32>
    %get3A_3 = arith.constant 0 : index
    %get3A_4 = arith.constant 0 : index
    %get3A_5 = vector.load %arg2[%get3A_3, %get3A_4] : memref<16x128xf32, #tpu.memory_space<vmem>>, vector<16x128xf32>
    %add3A = arith.addf %reshape3A, %get3A_5 : vector<16x128xf32>
    %get3A_6 = arith.constant 0 : index
    %get3A_7 = arith.constant 0 : index
    %get3A_8 = vector.load %arg3[%get3A_6, %get3A_7] : memref<16x128xf32, #tpu.memory_space<vmem>>, vector<16x128xf32>
    %mul3A = arith.mulf %add3A, %get3A_8 : vector<16x128xf32>
    %get3A_9 = arith.constant 0 : index
    %get3A_10 = arith.constant 0 : index
    %get3A_11 = vector.load %arg4[%get3A_9, %get3A_10] : memref<1x1xf32, #tpu.memory_space<vmem>>, vector<1x1xf32>
    %add3A_12 = vector.broadcast %get3A_11 : vector<1x1xf32> to vector<16x128xf32>
    %add3A_13 = arith.addf %mul3A, %add3A_12 : vector<16x128xf32>
    %logistic3A = arith.negf %add3A_13 : vector<16x128xf32>
    %logistic3A_14 = math.exp %logistic3A : vector<16x128xf32>
    %logistic3A_15 = arith.constant 1.000000e+00 : f32
    %logistic3A_16 = vector.broadcast %logistic3A_15 : f32 to vector<16x128xf32>
    %logistic3A_17 = arith.addf %logistic3A_16, %logistic3A_14 : vector<16x128xf32>
    %logistic3A_18 = arith.divf %logistic3A_16, %logistic3A_17 : vector<16x128xf32>
    %swap3A = arith.constant 0 : index
    %swap3A_19 = arith.constant 0 : index
    %swap3A_20 = vector.load %arg5[%swap3A, %swap3A_19] : memref<16x128xf32, #tpu.memory_space<vmem>>, vector<16x128xf32>
    tpu.vector_store %arg5[%swap3A, %swap3A_19], %logistic3A_18 {strides = array<i32>} : memref<16x128xf32, #tpu.memory_space<vmem>>, vector<16x128xf32>,
    return
  }
  func.func @transform_0(%arg0: i32) -> (i32, i32) {
    %c0_i32 = arith.constant 0 : i32
    %c0_i32_0 = arith.constant 0 : i32
    return %c0_i32, %arg0 : i32, i32
  }
  func.func @transform_1(%arg0: i32) -> (i32, i32) {
    %c0_i32 = arith.constant 0 : i32
    %c0_i32_0 = arith.constant 0 : i32
    return %arg0, %c0_i32 : i32, i32
  }
  func.func @transform_2(%arg0: i32) -> (i32, i32) {
    %c0_i32 = arith.constant 0 : i32
    %c0_i32_0 = arith.constant 0 : i32
    return %arg0, %c0_i32 : i32, i32
  }
  func.func @transform_3(%arg0: i32) -> (i32, i32) {
    %c0_i32 = arith.constant 0 : i32
    %c0_i32_0 = arith.constant 0 : i32
    %c0_i32_1 = arith.constant 0 : i32
    return %c0_i32, %c0_i32_0 : i32, i32
  }
  func.func @transform_4(%arg0: i32) -> (i32, i32) {
    %c0_i32 = arith.constant 0 : i32
    %c0_i32_0 = arith.constant 0 : i32
    return %arg0, %c0_i32 : i32, i32
  }
}

</mosaic_0001>

<sc_bundles>
// kernel: kernel.11.cloned.1.call-start
scs
__scs_entry_jumppad:
0x0: {  	(pc) =	sbr.rel $0x88, $3  }
0x1: {  	(tag) =	ssettag $0x0;
	lr =	simm.s32 $0x1  }
0x2: {  	[smem:$0x3F9B] =	sst lr;
	_ =	strace $0xD0000000  }
0x3: {  	_ = 	snop  }
0x4: {  	_ = 	snop  }
0x5: {  	_ = 	snop  }
0x6: {  	_ = 	snop  }
0x7: {  	_ = 	snop  }
__scs_overlays_trampoline_lowered:
0x8: {  	[smem:$0x3FAA] =	sst s0  }
0x9: {  	[smem:$0x3FAB] =	sst s1  }
0xa: {  	[smem:$0x3FAC] =	sst s2  }
0xb: {  	[smem:$0x3FAD] =	sst s3  }
0xc: {  	[smem:$0x3FAE] =	sst s4  }
0xd: {  	[smem:$0x3FAF] =	sst s5  }
0xe: {  	[smem:$0x3FB0] =	sst s6  }
0xf: {  	[smem:$0x3FB1] =	sst s7  }
0x10: {  	[smem:$0x3FB2] =	sst s8  }
0x11: {  	[smem:$0x3FB3] =	sst s9;
	s0 =	simm.s32 @!p0 $0x0  }
0x12: {  	s1 =	sld [smem:$0x3F99];
	s0 =	simm.s32 @p0 $0x1  }
0x13: {  	[smem:$0x3FB4] =	sst s0;
	s0 =	simm.s32 @!p1 $0x0  }
0x14: {  	s2 =	sld [smem:$0x3F98];
	s0 =	simm.s32 @p1 $0x1  }
0x15: {  	[smem:$0x3FB5] =	sst s0;
	s0 =	simm.s32 @!p2 $0x0  }
0x16: {  	s3 =	sld [smem:$0x3FDB];
	s0 =	simm.s32 @p2 $0x1  }
0x17: {  	s4 =	simm.s32 $0x1BF5;
	[smem:$0x3FB7] =	sst s0  }
0x18: {  	s0 =	sld [smem:$0x3F9A];
	_ =	swait.ge [sflag:s4], $0x0  }
0x19: {  	s7 =	sld [smem:$0x3F9B]  }
0x1a: {  	s8 =	sadd.s32 $0xFFFFE003, lr  }
0x1b: {  	s9 =	sadd.s32 $0xFFFFFEF7, lr;
	s5 =	simm.s32 $0xFFFFFFFF;
	p2 =	slt.u32 s8, $0xFFFFF086  }
0x1c: {  	p1 =	slt.u32 s9, $0xF7A;
	s5 =	simm.s32 @!p2 $0x0  }
0x1d: {  	s5 =	simm.s32 @p1 $0x1;
	p0 =	seq.s32 s7, s2  }
0x1e: {  	s7 =	smul.u32 @!p0 $0xF7A, s2;
	p2 =	seq.s32 @!p0 s5, $0x0  }
0x1f: {  	s9 =	smul.u32 $0xF7A, s1;
	s8 =	simm.s32 @!p0 $0x1BF5;
	p2 =	por !p2, p0  }
0x20: {  	[sflag:s8] =	ssyncset.s32 @!p0 $0xFFFFF086;
	s6 =	sadd.s32 @!p0 s3, s7;
	s7 =	simm.s32 @!p0 $0x108  }
0x21: {  	s3 =	sadd.s32 s3, s9;
	s6 =	sadd.s32 @!p0 $0x88, s6;
	s7 =	simm.s32 @p2 $0x1082  }
0x22: {  	[simem:s7], [sflag:s8] =	dma.local @!p0 [hbm:s6], $0xF7A  }
0x23: {  	s9 =	sor.u32 $0xD0000000, s2;
	s6 =	simm.s32 $0x108;
	_ =	swait.ge @!p0 [sflag:s8], $0x0  }
0x24: {  	s3 =	sadd.s32 $0x88, s3;
	s6 =	simm.s32 @!p1 $0x1082;
	[sflag:s4] =	ssyncset.s32 $0xFFFFF086  }
0x25: {  	[simem:s6], [sflag:s4] =	dma.local [hbm:s3], $0xF7A  }
0x26: {  	[smem:$0x3F9B] =	sst s1;
	(tag) =	ssettag s2;
	_ =	strace s9  }
0x27: {  	s1 =	sld [smem:$0x3FAB]  }
0x28: {  	s2 =	sld [smem:$0x3FAC]  }
0x29: {  	s4 =	sld [smem:$0x3FAE]  }
0x2a: {  	p0 =	seq.s32 s5, $0x0;
	s5 =	sld [smem:$0x3FAF]  }
0x2b: {  	s6 =	sld [smem:$0x3FB0]  }
0x2c: {  	s7 =	sld [smem:$0x3FB1]  }
0x2d: {  	s3 =	simm.s32 $0x108;
	s8 =	sld [smem:$0x3FB2]  }
0x2e: {  	s3 =	simm.s32 @!p0 $0x1082;
	s9 =	sld [smem:$0x3FB3]  }
0x2f: {  	lr =	sadd.s32 s0, s3;
	s0 =	sld [smem:$0x3FAA]  }
0x30: {  	s3 =	sld [smem:$0x3FAD]  }
0x31: {  	[smem:$0x3FB6] =	sst s10  }
0x32: {  	s10 =	sld [smem:$0x3FB4];
	_ =	sdelay $0x3  }
0x33: {  	p0 =	seq.s32 s10, $0x1;
	s10 =	sld [smem:$0x3FB6];
	_ =	sdelay $0x3  }
0x34: {  	[smem:$0x3FB6] =	sst s10  }
0x35: {  	s10 =	sld [smem:$0x3FB5];
	_ =	sdelay $0x3  }
0x36: {  	p1 =	seq.s32 s10, $0x1;
	s10 =	sld [smem:$0x3FB6];
	_ =	sdelay $0x3  }
0x37: {  	[smem:$0x3FB6] =	sst s10  }
0x38: {  	s10 =	sld [smem:$0x3FB7]  }
0x39: {  	_ = 	snop;
	(pc) =	sbr.ind lr, $3  }
0x3a: {  	_ = 	snop  }
0x3b: {  	_ = 	snop  }
0x3c: {  	p2 =	seq.s32 s10, $0x1;
	s10 =	sld [smem:$0x3FB6]  }
0x3d: {  	_ =	shalt  }
0x3e: {  	_ =	shalt  }
0x3f: {  	_ =	shalt  }
0x40: {  	_ =	shalt  }
0x41: {  	_ =	shalt  }
0x42: {  	_ =	shalt  }
0x43: {  	_ =	shalt  }
0x44: {  	_ =	shalt  }
0x45: {  	_ =	shalt  }
0x46: {  	_ =	shalt  }
0x47: {  	_ =	shalt  }
0x48: {  	_ =	shalt  }
0x49: {  	_ =	shalt  }
0x4a: {  	_ =	shalt  }
0x4b: {  	_ =	shalt  }
0x4c: {  	_ =	shalt  }
0x4d: {  	_ =	shalt  }
0x4e: {  	_ =	shalt  }
0x4f: {  	_ =	shalt  }
0x50: {  	_ =	shalt  }
0x51: {  	_ =	shalt  }
0x52: {  	_ =	shalt  }
0x53: {  	_ =	shalt  }
0x54: {  	_ =	shalt  }
0x55: {  	_ =	shalt  }
0x56: {  	_ =	shalt  }
0x57: {  	_ =	shalt  }
0x58: {  	_ =	shalt  }
0x59: {  	_ =	shalt  }
0x5a: {  	_ =	shalt  }
0x5b: {  	_ =	shalt  }
0x5c: {  	_ =	shalt  }
0x5d: {  	_ =	shalt  }
0x5e: {  	_ =	shalt  }
0x5f: {  	_ =	shalt  }
0x60: {  	_ =	shalt  }
0x61: {  	_ =	shalt  }
0x62: {  	_ =	shalt  }
0x63: {  	_ =	shalt  }
0x64: {  	_ =	shalt  }
0x65: {  	_ =	shalt  }
0x66: {  	_ =	shalt  }
0x67: {  	_ =	shalt  }
0x68: {  	_ =	shalt  }
0x69: {  	_ =	shalt  }
0x6a: {  	_ =	shalt  }
0x6b: {  	_ =	shalt  }
0x6c: {  	_ =	shalt  }
0x6d: {  	_ =	shalt  }
0x6e: {  	_ =	shalt  }
0x6f: {  	_ =	shalt  }
0x70: {  	_ =	shalt  }
0x71: {  	_ =	shalt  }
0x72: {  	_ =	shalt  }
0x73: {  	_ =	shalt  }
0x74: {  	_ =	shalt  }
0x75: {  	_ =	shalt  }
0x76: {  	_ =	shalt  }
0x77: {  	_ =	shalt  }
0x78: {  	_ =	shalt  }
0x79: {  	_ =	shalt  }
0x7a: {  	_ =	shalt  }
0x7b: {  	_ =	shalt  }
0x7c: {  	_ =	shalt  }
0x7d: {  	_ =	shalt  }
0x7e: {  	_ =	shalt  }
0x7f: {  	_ =	shalt  }
0x80: {  	_ =	shalt  }
0x81: {  	_ =	shalt  }
0x82: {  	_ =	shalt  }
0x83: {  	_ =	shalt  }
0x84: {  	_ =	shalt  }
0x85: {  	_ =	shalt  }
0x86: {  	_ =	shalt  }
0x87: {  	_ =	shalt  }
.Lfunc_end0:
.L_simem_size_0:
called_computation.1_lowered:
.L_overlay_start_0:
0x88: {  	s2 =	sld [smem:$0x3FD9]  }
0x89: {  	s3 =	sld [smem:$0x3FFE];
	_ =	sdelay $0x1  }
0x8a: {  	s1 =	srdreg.scid  }
0x8b: {  	s0 =	sand.u32 $0x1, s1  }
0x8c: {  	s16 =	sshll.u32 s0, $0xA;
	s2 =	sadd.s32 s3, s2  }
0x8d: {  	s2 =	sadd.s32 s2, s16  }
0x8e: {  	[smem:$0x3FC2] =	sst s2  }
0x8f: {  	_ = 	snop  }
0x90: {  	(tm) =	ssettm $0x1  }
0x91: {  	s17 =	sld [smem:$0x3FFB];
	_ =	sdelay $0x3  }
0x92: {  	_ =	strace s17  }
0x93: {  	s2 =	sld [smem:$0x3FFC];
	_ =	sdelay $0x3  }
0x94: {  	_ =	strace s2  }
0x95: {  	s2 =	sld [smem:$0x3FFD];
	_ =	sdelay $0x3  }
0x96: {  	_ =	strace s2  }
0x97: {  	_ =	strace $0x8FFFFFFF  }
0x98: {  	s18 =	sld [smem:$0x3FDB];
	_ =	sdelay $0x1  }
0x99: {  	s19 =	simm.s32 $_scs_section_size  }
0x9a: {  	s4 =	simm.s32 $_size__tile_overlayer_lowered;
	s5 =	simm.s32 $_tile_overlayer_lowered  }
0x9b: {  	s22 =	simm.s32 $0x1BFF;
	s21 =	sshll.u32 s5, $0x1;
	s2 =	sadd.s32 s19, s18  }
0x9c: {  	s6 =	simm.s32 $0x0;
	s20 =	sshll.u32 s4, $0x1;
	s4 =	sadd.s32 s21, s2  }
0x9d: {  	[timem:s6], [sflag:s22] =	dma.local [hbm:s4], s20  }
0x9e: {  	_ =	swait.ge [sflag:s22], s20  }
0x9f: {  	s3 =	ssub.s32 $0x0, s20;
	[sflag:s22] =	ssyncset.done $0x0  }
0xa0: {  	[sflag:s22] =	ssyncadd.s32 s3;
	_ =	sdelay $0x1  }
0xa1: {  	s23 =	simm.s32 $0x1B8B  }
0xa2: {  	_ =	swait.ge [sflag:s23], $0x1  }
0xa3: {  	[sflag:s23] =	ssyncset.done $0x0  }
0xa4: {  	s25 =	simm.s32 $0x1B8E;
	s24 =	sld [smem:$0x3FFE];
	[sflag:s23] =	ssyncadd.s32 $0xFFFFFFFF  }
0xa5: {  	s26 =	simm.s32 $execute0_lowered;
	[smem:$0x3FD2] =	sst s25  }
0xa6: {  	s4 =	sshll.u32 s26, $0x1;
	_ =	strace $0x80000049;
	[dreg:$0x1] =	wrdreg $0xFFFFFFFF  }
0xa7: {  	s28 =	simm.s32 $_size_execute0_lowered;
	s2 =	sadd.s32 s2, s4;
	[dreg:$0x0] =	wrdreg $0x0  }
0xa8: {  	s4 =	sshll.u32 s28, $0x1;
	[dreg:$0x2] =	wrdreg s2  }
0xa9: {  	[dreg:$0x3] =	wrdreg s4  }
0xaa: {  	[dreg:$0x4] =	wrdreg $0xC0  }
0xab: {  	_ =	task [dreg:s6], $0x5FFFF  }
0xac: {  	[dreg:$0x1] =	wrdreg $0xFFFFFFFF  }
0xad: {  	[dreg:$0x0] =	wrdreg $0x60  }
0xae: {  	[dreg:$0x2] =	wrdreg s24  }
0xaf: {  	[dreg:$0x3] =	wrdreg $0x10E200  }
0xb0: {  	[dreg:$0x4] =	wrdreg $0x9  }
0xb1: {  	_ =	task.clear_ibuf [dreg:s6], $0x5FFFF;
	_ =	strace $0x90000049  }
0xb2: {  	s29 =	simm.s32 $0x9;
	_ =	strace $0x8000004B  }
0xb3: {  	_ =	swait.ge [sflag:s29], $0x1  }
0xb4: {  	[sflag:s29] =	ssyncadd.s32 $0xFFFFFFFF  }
0xb5: {  	_ =	strace $0x9000004B  }
0xb6: {  	_ =	sfence  }
0xb7: {  	s30 =	sld [smem:$0x0];
	_ =	sdelay $0x2  }
0xb8: {  	s31 =	sshll.u32 s1, $0xD;
	s1 =	sshrl.u32 s1, $0x2  }
0xb9: {  	s3 =	sand.u32 $0x4000, s31;
	s1 =	sadd.s32 s1, s30  }
0xba: {  	s0 =	sor.u32 s3, s0;
	s1 =	sshll.u32 s1, $0x11  }
0xbb: {  	s0 =	sor.u32 s1, s0  }
0xbc: {  	s0 =	sadd.s32 $0x8F2B, s0  }
0xbd: {  	[sflag:s0] =	ssyncadd.remote.s32 $0x1  }
0xbe: {  	_ =	sfence.sel $0xFFFF  }
0xbf: {  	[dreg:$0x0] =	wrdreg $0xFFFFFFFF;
	(pc) =	sbr.abs _section_cstart, $3  }
0xc0: {  	[dreg:$0x1] =	wrdreg $0xFFFFFFFF  }
0xc1: {  	_ =	task.clear_ibuf [dreg:s6], $0x2FFFF;
	_ =	strace $0x9FFFFFFF  }
0xc2: {  	(tm) =	ssettm $0x7FFFFFFF  }
0xc3: {  	_ =	shalt  }
tec
execute0_lowered:
.L_overlay_start_1:
0x0: {  	(tag) =	ssettag $0x1  }
0x1: {  	s0 =	srdreg.scid  }
0x2: {  	s3 =	stileid.u32;
	s5 =	rddreg [dreg:$0x0]  }
0x3: {  	s2 =	rddreg [dreg:$0x1];
	s4 =	simm.s32 $0x0;
	s14 =	simm.s32 $0x7  }
0x4: {  	s16 =	simm.s32 $0x4E20;
	s17 =	simm.s32 $0x80;
	s20 =	simm.s32 $0x8E20  }
0x5: {  	s28 =	simm.s32 $0xEE20;
	s29 =	simm.s32 $0x1;
	s30 =	simm.s32 $0x3  }
0x6: {  	s31 =	simm.s32 $0x5;
	s19 =	simm.s32 $0x0;
	s0 =	sand.u32 $0x1, s0  }
0x7: {  	s1 =	sshll.u32 s3, $0x1;
	[smem:$0x7FF] =	sst s4;
	s9 =	smul.u32 $0xA000, s3  }
0x8: {  	s4 =	sadd.s32 $0x15A00, s5;
	s8 =	smul.u32 $0x28000, s3;
	s1 =	sor.u32 s0, s1  }
0x9: {  	s6 =	smul.u32 $0xA0000, s0;
	_ =	strace $0x8000004A;
	s0 =	ssub.s32 $0x2, s0  }
0xa: {  	s1 =	smul.u32 $0x2710, s1;
	s7 =	sshrl.u32 s0, $0x1;
	s24 =	sshrl.u32 s8, $0x2  }
0xb: {  	s26 =	sadd.s32 s9, s2;
	s6 =	sadd.s32 s9, s6;
	s0 =	ssub.s32 s0, s7  }
0xc: {  	s7 =	sadd.s32 s24, s2;
	s24 =	simm.s32 $0xCE20;
	s1 =	sshrl.u32 s1, $0x3  }
0xd: {  	s6 =	sshrl.u32 s6, $0x3;
	s9 =	smax.u32 s0, $0x1;
	s11 =	sadd.s32 $0x4000, s7  }
.Ltmp0:
0xe: {  	s12 =	sadd.s32 $0x6000, s7;
	s1 =	sadd.s32 s1, s5;
	(pc) =	sbr.rel .LBB2_1-.Ltmp0, $4  }
0xf: {  	s13 =	sadd.s32 $0x8000, s7;
	s0 =	simm.s32 $0x10;
	s23 =	sadd.s32 $0x2000, s1  }
0x10: {  	s10 =	sadd.s32 s6, s5;
	s1 =	sadd.s32 $0xBC40, s1;
	[dreg:$0x3] =	wrdreg s23  }
0x11: {  	s25 =	sadd.s32 $0x29A00, s10;
	s10 =	sadd.s32 $0x2000, s7;
	[dreg:$0x4] =	wrdreg s1  }
0x12: {  	v0 =	vimm.f32 $0.0e+00;
	[dreg:$0x5] =	wrdreg s25;
	s25 =	sshrl.u32 s26, $0x3;
	s1 =	simm.s32 $0x6  }
.LBB2_6:
0x13: {  	_ =	swait.ge [sflag:s1], $0x2000  }
0x14: {  	[sflag:s1] =	ssyncset.done $0x0  }
0x15: {  	[sflag:s1] =	ssyncadd.s32 $0xFFFFE000  }
0x16: {  	[spmem:s2] =	stream.indirect.scatter.add.f32 [tilespmem:s28], [sflag:$0x7], $0x40, s23, s17, $0xb8;
	[tilespmem:$0x1AE20] =	vst v63  }
0x17: {  	_ =	swait.ge [sflag:s14], $0x2000  }
0x18: {  	[sflag:s14] =	ssyncset.done $0x0  }
0x19: {  	s3 =	simm.s32 $0x2700;
	[sflag:s14] =	ssyncadd.s32 $0xFFFFE000  }
0x1a: {  	[tilespmem:s16], [sflag:$0x1] =	stream.indirect.gather [hbm4b:s4+s0], $0x40, s3, s0, $0xb8;
	[tilespmem:$0x1AE20] =	vst v63  }
0x1b: {  	_ =	swait.ge [sflag:s29], $0x400  }
0x1c: {  	[sflag:s29] =	ssyncset.done $0x0  }
0x1d: {  	s23 =	simm.s32 $0x4E10;
	[sflag:s29] =	ssyncadd.s32 $0xFFFFFC00  }
0x1e: {  	[spmem:s2] =	stream.indirect.scatter.add.f32 [tilespmem:s16], [sflag:$0x7], $0x40, s23, s0, $0xb8;
	[tilespmem:$0x1AE20] =	vst v63  }
0x1f: {  	_ =	swait.ge [sflag:s14], $0x400  }
0x20: {  	[sflag:s14] =	ssyncset.done $0x0  }
0x21: {  	s26 =	stileid.u32;
	s19 =	sadd.s32 $0x1, s19;
	[sflag:s14] =	ssyncadd.s32 $0xFFFFFC00  }
0x22: {  	p0 =	sne.s32 s19, s9;
	s3 =	sshll.u32 s26, $0x6;
	[bflag:$0x0] =	sbarrier.arrive $0xFFFF  }
.Ltmp1:
0x23: {  	s3 =	sor.u32 $0x1C07, s3;
	s5 =	rddreg [dreg:$0x5];
	(pc) =	sbr.rel @!p0 .LBB2_7-.Ltmp1, $4  }
0x24: {  	[hbm:s5], [sflag:s3] =	dma.local [spmem:s25], $0x1400  }
0x25: {  	_ =	swait.ge [sflag:s14], $0x1400  }
0x26: {  	[sflag:s14] =	ssyncset.done $0x0  }
0x27: {  	[sflag:s14] =	ssyncadd.s32 $0xFFFFEC00  }
.LBB2_1:
0x28: {  	s3 =	simm.s32 $0x0;
	s5 =	rddreg [dreg:$0x3]  }
0x29: {  	[tilespmem:s3], [sflag:$0x7] =	stream.linear.gather [hbm4b:s5+s3], $0x2710, $0x38;
	[tilespmem:$0x1AE20] =	vst v63  }
0x2a: {  	_ =	swait.ge [sflag:s14], $0x2710  }
0x2b: {  	[sflag:s14] =	ssyncset.done $0x0  }
0x2c: {  	s6 =	simm.s32 $0x2710;
	s26 =	rddreg [dreg:$0x4];
	[sflag:s14] =	ssyncadd.s32 $0xFFFFD8F0  }
0x2d: {  	[tilespmem:s6], [sflag:$0x7] =	stream.linear.gather [hbm4b:s26+s3], $0x2710, $0x38;
	[tilespmem:$0x1AE20] =	vst v63  }
0x2e: {  	_ =	swait.ge [sflag:s14], $0x2710  }
0x2f: {  	[sflag:s14] =	ssyncset.done $0x0  }
0x30: {  	s22 =	simm.s32 $0x100;
	s21 =	simm.s32 $0x0;
	[sflag:s14] =	ssyncadd.s32 $0xFFFFD8F0  }
.LBB2_2:
0x31: {  	p0 =	sne.s32 s22, $0x7F00;
	[tilespmem:s21+$0x4E50] =	vst v0;
	s23 =	smov.u32 s22;
	s22 =	sadd.s32 $0x100, s22  }
.Ltmp2:
0x32: {  	[tilespmem:s21+$0x4E40] =	vst v0;
	(pc) =	sbr.rel @p0 .LBB2_2-.Ltmp2, $3  }
0x33: {  	[tilespmem:s21+$0x4E20] =	vst v0  }
0x34: {  	[tilespmem:s21+$0x4E30] =	vst v0;
	_ =	sdelay $0x1  }
0x35: {  	s21 =	sshra.s32 s23, $0x2  }
0x36: {  	[tilespmem:s21+$0x4E50] =	vst v0  }
0x37: {  	[tilespmem:s21+$0x4E40] =	vst v0  }
0x38: {  	[tilespmem:s21+$0x4E20] =	vst v0  }
0x39: {  	[tilespmem:s21+$0x4E30] =	vst v0  }
0x3a: {  	[spmem:s7] =	stream.linear.scatter [tilespmem:s16], [sflag:$0x7], $0x2000, $0x38;
	[tilespmem:$0x1AE20] =	vst v63  }
0x3b: {  	_ =	swait.ge [sflag:s14], $0x2000  }
0x3c: {  	[sflag:s14] =	ssyncset.done $0x0  }
0x3d: {  	[sflag:s14] =	ssyncadd.s32 $0xFFFFE000  }
0x3e: {  	[spmem:s10] =	stream.linear.scatter [tilespmem:s16], [sflag:$0x7], $0x2000, $0x38;
	[tilespmem:$0x1AE20] =	vst v63  }
0x3f: {  	_ =	swait.ge [sflag:s14], $0x2000  }
0x40: {  	[sflag:s14] =	ssyncset.done $0x0  }
0x41: {  	[sflag:s14] =	ssyncadd.s32 $0xFFFFE000  }
0x42: {  	[spmem:s11] =	stream.linear.scatter [tilespmem:s16], [sflag:$0x7], $0x2000, $0x38;
	[tilespmem:$0x1AE20] =	vst v63  }
0x43: {  	_ =	swait.ge [sflag:s14], $0x2000  }
0x44: {  	[sflag:s14] =	ssyncset.done $0x0  }
0x45: {  	[sflag:s14] =	ssyncadd.s32 $0xFFFFE000  }
0x46: {  	[spmem:s12] =	stream.linear.scatter [tilespmem:s16], [sflag:$0x7], $0x2000, $0x38;
	[tilespmem:$0x1AE20] =	vst v63  }
0x47: {  	_ =	swait.ge [sflag:s14], $0x2000  }
0x48: {  	[sflag:s14] =	ssyncset.done $0x0  }
0x49: {  	[sflag:s14] =	ssyncadd.s32 $0xFFFFE000  }
0x4a: {  	[spmem:s13] =	stream.linear.scatter [tilespmem:s16], [sflag:$0x7], $0x2000, $0x38;
	[tilespmem:$0x1AE20] =	vst v63  }
0x4b: {  	_ =	swait.ge [sflag:s14], $0x2000  }
0x4c: {  	[sflag:s14] =	ssyncset.done $0x0  }
0x4d: {  	[sflag:s14] =	ssyncadd.s32 $0xFFFFE000  }
0x4e: {  	s21 =	simm.s32 $0x0;
	[bflag:$0x0] =	sbarrier.arrive $0xFFFF  }
0x4f: {  	[tilespmem:s16], [sflag:$0x1] =	stream.indirect.gather [hbm4b:s4+s17], $0x40, s21, s17, $0xb8;
	[tilespmem:$0x1AE20] =	vst v63  }
0x50: {  	s3 =	simm.s32 $0x6E20  }
0x51: {  	[tilespmem:s3], [sflag:$0x2] =	stream.indirect.gather [hbm4b:s4+s17], $0x40, s17, s17, $0xb8;
	[tilespmem:$0x1AE20] =	vst v63  }
0x52: {  	s18 =	simm.s32 $0x100  }
0x53: {  	[tilespmem:s20], [sflag:$0x3] =	stream.indirect.gather [hbm4b:s4+s17], $0x40, s18, s17, $0xb8;
	[tilespmem:$0x1AE20] =	vst v63  }
0x54: {  	s22 =	simm.s32 $0x180;
	s5 =	simm.s32 $0xAE20  }
0x55: {  	[tilespmem:s5], [sflag:$0x4] =	stream.indirect.gather [hbm4b:s4+s17], $0x40, s22, s17, $0xb8;
	[tilespmem:$0x1AE20] =	vst v63  }
0x56: {  	s23 =	simm.s32 $0x200  }
0x57: {  	[tilespmem:s24], [sflag:$0x5] =	stream.indirect.gather [hbm4b:s4+s17], $0x40, s23, s17, $0xb8;
	[tilespmem:$0x1AE20] =	vst v63  }
0x58: {  	s26 =	simm.s32 $0x280  }
0x59: {  	[tilespmem:s28], [sflag:$0x6] =	stream.indirect.gather [hbm4b:s4+s17], $0x40, s26, s17, $0xb8;
	[tilespmem:$0x1AE20] =	vst v63  }
.LBB2_4:
0x5a: {  	_ =	swait.ge [sflag:s29], $0x2000  }
0x5b: {  	s22 =	sshra.s32 s21, $0x2;
	[sflag:s29] =	ssyncset.done $0x0  }
0x5c: {  	s23 =	sadd.s32 $0x2710, s22;
	[sflag:s29] =	ssyncadd.s32 $0xFFFFE000  }
0x5d: {  	[spmem:s2] =	stream.indirect.scatter.add.f32 [tilespmem:s16], [sflag:$0x7], $0x40, s23, s17, $0xb8;
	[tilespmem:$0x1AE20] =	vst v63  }
0x5e: {  	_ =	swait.ge [sflag:s14], $0x2000  }
0x5f: {  	p0 =	seq.s32 s21, $0x9000;
	[sflag:s14] =	ssyncset.done $0x0  }
0x60: {  	s23 =	simm.s32 @p0 $0x2;
	[sflag:s14] =	ssyncadd.s32 $0xFFFFE000  }
0x61: {  	_ =	swait.ge @p0 [sflag:s23], $0x2000  }
0x62: {  	[sflag:s23] =	ssyncset.done @p0 $0x0  }
0x63: {  	[sflag:s23] =	ssyncadd.s32 @p0 $0xFFFFE000;
	s23 =	sshra.s32 @p0 s21, $0x2  }
0x64: {  	s15 =	simm.s32 @p0 $0x80;
	s18 =	simm.s32 @p0 $0x6E20;
	s26 =	sadd.s32 @p0 $0x2790, s23  }
0x65: {  	[spmem:s2] =	stream.indirect.scatter.add.f32 @p0 [tilespmem:s18], [sflag:$0x7], $0x40, s26, s15, $0xb8;
	[tilespmem:$0x1AE20] =	vst v63  }
0x66: {  	s18 =	simm.s32 @p0 $0x7  }
0x67: {  	_ =	swait.ge @p0 [sflag:s18], $0x2000  }
0x68: {  	s5 =	simm.s32 @!p0 $0x80;
	s26 =	sshra.s32 @!p0 s21, $0x2;
	[sflag:s18] =	ssyncset.done @p0 $0x0  }
0x69: {  	s6 =	simm.s32 @!p0 $0x4E20;
	s3 =	sadd.s32 @!p0 $0x300, s26;
	[sflag:s18] =	ssyncadd.s32 @p0 $0xFFFFE000  }
0x6a: {  	[tilespmem:s6], [sflag:$0x1] =	stream.indirect.gather @!p0 [hbm4b:s4+s5], $0x40, s3, s5, $0xb8;
	[tilespmem:$0x1AE20] =	vst v63  }
0x6b: {  	s3 =	simm.s32 @!p0 $0x2  }
0x6c: {  	_ =	swait.ge @!p0 [sflag:s3], $0x2000  }
0x6d: {  	[sflag:s3] =	ssyncset.done @!p0 $0x0  }
0x6e: {  	s6 =	simm.s32 @!p0 $0x6E20;
	[sflag:s3] =	ssyncadd.s32 @!p0 $0xFFFFE000;
	s3 =	sadd.s32 @!p0 $0x2790, s26  }
0x6f: {  	[spmem:s2] =	stream.indirect.scatter.add.f32 @!p0 [tilespmem:s6], [sflag:$0x7], $0x40, s3, s5, $0xb8;
	[tilespmem:$0x1AE20] =	vst v63  }
0x70: {  	s3 =	simm.s32 @!p0 $0x7  }
0x71: {  	_ =	swait.ge @!p0 [sflag:s3], $0x2000  }
0x72: {  	[sflag:s3] =	ssyncset.done @!p0 $0x0  }
0x73: {  	s8 =	sadd.s32 @!p0 $0x380, s26;
	[sflag:s3] =	ssyncadd.s32 @!p0 $0xFFFFE000  }
0x74: {  	[tilespmem:s6], [sflag:$0x2] =	stream.indirect.gather @!p0 [hbm4b:s4+s5], $0x40, s8, s5, $0xb8;
	[tilespmem:$0x1AE20] =	vst v63  }
0x75: {  	_ =	swait.ge [sflag:s30], $0x2000  }
0x76: {  	[sflag:s30] =	ssyncset.done $0x0  }
0x77: {  	s8 =	sadd.s32 $0x2810, s22;
	[sflag:s30] =	ssyncadd.s32 $0xFFFFE000  }
0x78: {  	[spmem:s2] =	stream.indirect.scatter.add.f32 [tilespmem:s20], [sflag:$0x7], $0x40, s8, s17, $0xb8;
	[tilespmem:$0x1AE20] =	vst v63  }
0x79: {  	_ =	swait.ge [sflag:s14], $0x2000  }
0x7a: {  	[sflag:s14] =	ssyncset.done $0x0  }
0x7b: {  	s6 =	simm.s32 @p0 $0x4;
	[sflag:s14] =	ssyncadd.s32 $0xFFFFE000  }
0x7c: {  	_ =	swait.ge @p0 [sflag:s6], $0x2000  }
0x7d: {  	[sflag:s6] =	ssyncset.done @p0 $0x0  }
0x7e: {  	s8 =	simm.s32 @p0 $0xAE20;
	[sflag:s6] =	ssyncadd.s32 @p0 $0xFFFFE000;
	s6 =	sadd.s32 @p0 $0x2890, s23  }
0x7f: {  	[spmem:s2] =	stream.indirect.scatter.add.f32 @p0 [tilespmem:s8], [sflag:$0x7], $0x40, s6, s15, $0xb8;
	[tilespmem:$0x1AE20] =	vst v63  }
0x80: {  	_ =	swait.ge @p0 [sflag:s18], $0x2000  }
0x81: {  	[sflag:s18] =	ssyncset.done @p0 $0x0  }
0x82: {  	s6 =	sadd.s32 @!p0 $0x400, s26;
	s8 =	simm.s32 @!p0 $0x8E20;
	[sflag:s18] =	ssyncadd.s32 @p0 $0xFFFFE000  }
0x83: {  	[tilespmem:s8], [sflag:$0x3] =	stream.indirect.gather @!p0 [hbm4b:s4+s5], $0x40, s6, s5, $0xb8;
	[tilespmem:$0x1AE20] =	vst v63  }
0x84: {  	s6 =	simm.s32 @!p0 $0x4  }
0x85: {  	_ =	swait.ge @!p0 [sflag:s6], $0x2000  }
0x86: {  	[sflag:s6] =	ssyncset.done @!p0 $0x0  }
0x87: {  	s8 =	simm.s32 @!p0 $0xAE20;
	[sflag:s6] =	ssyncadd.s32 @!p0 $0xFFFFE000;
	s6 =	sadd.s32 @!p0 $0x2890, s26  }
0x88: {  	[spmem:s2] =	stream.indirect.scatter.add.f32 @!p0 [tilespmem:s8], [sflag:$0x7], $0x40, s6, s5, $0xb8;
	[tilespmem:$0x1AE20] =	vst v63  }
0x89: {  	_ =	swait.ge @!p0 [sflag:s3], $0x2000  }
0x8a: {  	[sflag:s3] =	ssyncset.done @!p0 $0x0  }
0x8b: {  	[sflag:s3] =	ssyncadd.s32 @!p0 $0xFFFFE000;
	s3 =	sadd.s32 @!p0 $0x480, s26  }
0x8c: {  	[tilespmem:s8], [sflag:$0x4] =	stream.indirect.gather @!p0 [hbm4b:s4+s5], $0x40, s3, s5, $0xb8;
	[tilespmem:$0x1AE20] =	vst v63  }
0x8d: {  	_ =	swait.ge [sflag:s31], $0x2000  }
0x8e: {  	[sflag:s31] =	ssyncset.done $0x0  }
.Ltmp3:
0x8f: {  	s26 =	sadd.s32 $0x2910, s22;
	[sflag:s31] =	ssyncadd.s32 $0xFFFFE000;
	(pc) =	sbr.rel @p0 .LBB2_6-.Ltmp3, $4  }
0x90: {  	[spmem:s2] =	stream.indirect.scatter.add.f32 [tilespmem:s24], [sflag:$0x7], $0x40, s26, s17, $0xb8;
	[tilespmem:$0x1AE20] =	vst v63  }
0x91: {  	_ =	swait.ge [sflag:s14], $0x2000  }
0x92: {  	[sflag:s14] =	ssyncset.done $0x0  }
0x93: {  	s23 =	sadd.s32 $0x2990, s22;
	[sflag:s14] =	ssyncadd.s32 $0xFFFFE000  }
0x94: {  	s3 =	sadd.s32 $0x500, s22  }
0x95: {  	[tilespmem:s24], [sflag:$0x5] =	stream.indirect.gather [hbm4b:s4+s17], $0x40, s3, s17, $0xb8;
	[tilespmem:$0x1AE20] =	vst v63  }
0x96: {  	_ =	swait.ge [sflag:s1], $0x2000  }
0x97: {  	[sflag:s1] =	ssyncset.done $0x0  }
0x98: {  	[sflag:s1] =	ssyncadd.s32 $0xFFFFE000  }
0x99: {  	[spmem:s2] =	stream.indirect.scatter.add.f32 [tilespmem:s28], [sflag:$0x7], $0x40, s23, s17, $0xb8;
	[tilespmem:$0x1AE20] =	vst v63  }
.Ltmp4:
0x9a: {  	_ = 	snop;
	(pc) =	sbr.rel .LBB2_4-.Ltmp4, $4  }
0x9b: {  	_ =	swait.ge [sflag:s14], $0x2000  }
0x9c: {  	[sflag:s14] =	ssyncset.done $0x0  }
0x9d: {  	s26 =	sadd.s32 $0x580, s22;
	s21 =	sadd.s32 $0xC00, s21;
	[sflag:s14] =	ssyncadd.s32 $0xFFFFE000  }
0x9e: {  	[tilespmem:s28], [sflag:$0x6] =	stream.indirect.gather [hbm4b:s4+s17], $0x40, s26, s17, $0xb8;
	[tilespmem:$0x1AE20] =	vst v63  }
.LBB2_7:
0x9f: {  	_ =	sfence.sel $0x180000  }
0xa0: {  	[bflag:$0x0] =	sbarrier.arrive $0xFFFF  }
0xa1: {  	_ =	strace $0x9000004A  }
0xa2: {  	s0 =	stileid.u32;
	[bflag:$0x2] =	sbarrier.arrive $0xFFFF  }
0xa3: {  	p0 =	sne.s32 s0, $0x0;
	s0 =	rddreg [dreg:$0x2]  }
0xa4: {  	s0 =	sadd.s32 @!p0 $0x100000, s0  }
0xa5: {  	[sflag:s0] =	ssyncadd.tile.s32 @!p0 $0x1;
	_ =	shalt  }
.Lfunc_end2:
_tile_overlayer_lowered:
.L_overlay_start_2:
0xa6: {  	(tag) =	ssettag $0x2  }
0xa7: {  	s0 =	rddreg [dreg:$0x0];
	s2 =	stileid.u32  }
0xa8: {  	s1 =	rddreg [dreg:$0x1];
	p0 =	sne.s32 s2, $0x0  }
0xa9: {  	s3 =	rddreg [dreg:$0x2];
	[bflag:$0x3] =	sbarrier.arrive $0xFFFF;
	s2 =	simm.s32 @!p0 $0x1C07  }
0xaa: {  	[timem:s3], [sflag:s2] =	dma.local @!p0 [hbm:s0], s1  }
0xab: {  	s0 =	simm.s32 @!p0 $0x7  }
0xac: {  	_ =	swait.ge @!p0 [sflag:s0], s1  }
0xad: {  	s1 =	ssub.s32 @!p0 $0x0, s1;
	[sflag:s0] =	ssyncset.done @!p0 $0x0  }
0xae: {  	[sflag:s0] =	ssyncadd.s32 @!p0 s1  }
0xaf: {  	[bflag:$0x3] =	sbarrier.arrive $0xFFFF  }
0xb0: {  	_ =	shalt  }

// kernel: kernel.14.cloned.1.call-start
scs
__scs_entry_jumppad:
0x0: {  	(pc) =	sbr.rel $0x88, $3  }
0x1: {  	(tag) =	ssettag $0x0;
	lr =	simm.s32 $0x1  }
0x2: {  	[smem:$0x3F9B] =	sst lr;
	_ =	strace $0xD0000000  }
0x3: {  	_ = 	snop  }
0x4: {  	_ = 	snop  }
0x5: {  	_ = 	snop  }
0x6: {  	_ = 	snop  }
0x7: {  	_ = 	snop  }
__scs_overlays_trampoline_lowered:
0x8: {  	[smem:$0x3FAA] =	sst s0  }
0x9: {  	[smem:$0x3FAB] =	sst s1  }
0xa: {  	[smem:$0x3FAC] =	sst s2  }
0xb: {  	[smem:$0x3FAD] =	sst s3  }
0xc: {  	[smem:$0x3FAE] =	sst s4  }
0xd: {  	[smem:$0x3FAF] =	sst s5  }
0xe: {  	[smem:$0x3FB0] =	sst s6  }
0xf: {  	[smem:$0x3FB1] =	sst s7  }
0x10: {  	[smem:$0x3FB2] =	sst s8  }
0x11: {  	[smem:$0x3FB3] =	sst s9;
	s0 =	simm.s32 @!p0 $0x0  }
0x12: {  	s1 =	sld [smem:$0x3F99];
	s0 =	simm.s32 @p0 $0x1  }
0x13: {  	[smem:$0x3FB4] =	sst s0;
	s0 =	simm.s32 @!p1 $0x0  }
0x14: {  	s2 =	sld [smem:$0x3F98];
	s0 =	simm.s32 @p1 $0x1  }
0x15: {  	[smem:$0x3FB5] =	sst s0;
	s0 =	simm.s32 @!p2 $0x0  }
0x16: {  	s3 =	sld [smem:$0x3FDB];
	s0 =	simm.s32 @p2 $0x1  }
0x17: {  	s4 =	simm.s32 $0x1BF5;
	[smem:$0x3FB7] =	sst s0  }
0x18: {  	s0 =	sld [smem:$0x3F9A];
	_ =	swait.ge [sflag:s4], $0x0  }
0x19: {  	s7 =	sld [smem:$0x3F9B]  }
0x1a: {  	s8 =	sadd.s32 $0xFFFFE003, lr  }
0x1b: {  	s9 =	sadd.s32 $0xFFFFFEF7, lr;
	s5 =	simm.s32 $0xFFFFFFFF;
	p2 =	slt.u32 s8, $0xFFFFF086  }
0x1c: {  	p1 =	slt.u32 s9, $0xF7A;
	s5 =	simm.s32 @!p2 $0x0  }
0x1d: {  	s5 =	simm.s32 @p1 $0x1;
	p0 =	seq.s32 s7, s2  }
0x1e: {  	s7 =	smul.u32 @!p0 $0xF7A, s2;
	p2 =	seq.s32 @!p0 s5, $0x0  }
0x1f: {  	s9 =	smul.u32 $0xF7A, s1;
	s8 =	simm.s32 @!p0 $0x1BF5;
	p2 =	por !p2, p0  }
0x20: {  	[sflag:s8] =	ssyncset.s32 @!p0 $0xFFFFF086;
	s6 =	sadd.s32 @!p0 s3, s7;
	s7 =	simm.s32 @!p0 $0x108  }
0x21: {  	s3 =	sadd.s32 s3, s9;
	s6 =	sadd.s32 @!p0 $0x88, s6;
	s7 =	simm.s32 @p2 $0x1082  }
0x22: {  	[simem:s7], [sflag:s8] =	dma.local @!p0 [hbm:s6], $0xF7A  }
0x23: {  	s9 =	sor.u32 $0xD0000000, s2;
	s6 =	simm.s32 $0x108;
	_ =	swait.ge @!p0 [sflag:s8], $0x0  }
0x24: {  	s3 =	sadd.s32 $0x88, s3;
	s6 =	simm.s32 @!p1 $0x1082;
	[sflag:s4] =	ssyncset.s32 $0xFFFFF086  }
0x25: {  	[simem:s6], [sflag:s4] =	dma.local [hbm:s3], $0xF7A  }
0x26: {  	[smem:$0x3F9B] =	sst s1;
	(tag) =	ssettag s2;
	_ =	strace s9  }
0x27: {  	s1 =	sld [smem:$0x3FAB]  }
0x28: {  	s2 =	sld [smem:$0x3FAC]  }
0x29: {  	s4 =	sld [smem:$0x3FAE]  }
0x2a: {  	p0 =	seq.s32 s5, $0x0;
	s5 =	sld [smem:$0x3FAF]  }
0x2b: {  	s6 =	sld [smem:$0x3FB0]  }
0x2c: {  	s7 =	sld [smem:$0x3FB1]  }
0x2d: {  	s3 =	simm.s32 $0x108;
	s8 =	sld [smem:$0x3FB2]  }
0x2e: {  	s3 =	simm.s32 @!p0 $0x1082;
	s9 =	sld [smem:$0x3FB3]  }
0x2f: {  	lr =	sadd.s32 s0, s3;
	s0 =	sld [smem:$0x3FAA]  }
0x30: {  	s3 =	sld [smem:$0x3FAD]  }
0x31: {  	[smem:$0x3FB6] =	sst s10  }
0x32: {  	s10 =	sld [smem:$0x3FB4];
	_ =	sdelay $0x3  }
0x33: {  	p0 =	seq.s32 s10, $0x1;
	s10 =	sld [smem:$0x3FB6];
	_ =	sdelay $0x3  }
0x34: {  	[smem:$0x3FB6] =	sst s10  }
0x35: {  	s10 =	sld [smem:$0x3FB5];
	_ =	sdelay $0x3  }
0x36: {  	p1 =	seq.s32 s10, $0x1;
	s10 =	sld [smem:$0x3FB6];
	_ =	sdelay $0x3  }
0x37: {  	[smem:$0x3FB6] =	sst s10  }
0x38: {  	s10 =	sld [smem:$0x3FB7]  }
0x39: {  	_ = 	snop;
	(pc) =	sbr.ind lr, $3  }
0x3a: {  	_ = 	snop  }
0x3b: {  	_ = 	snop  }
0x3c: {  	p2 =	seq.s32 s10, $0x1;
	s10 =	sld [smem:$0x3FB6]  }
0x3d: {  	_ =	shalt  }
0x3e: {  	_ =	shalt  }
0x3f: {  	_ =	shalt  }
0x40: {  	_ =	shalt  }
0x41: {  	_ =	shalt  }
0x42: {  	_ =	shalt  }
0x43: {  	_ =	shalt  }
0x44: {  	_ =	shalt  }
0x45: {  	_ =	shalt  }
0x46: {  	_ =	shalt  }
0x47: {  	_ =	shalt  }
0x48: {  	_ =	shalt  }
0x49: {  	_ =	shalt  }
0x4a: {  	_ =	shalt  }
0x4b: {  	_ =	shalt  }
0x4c: {  	_ =	shalt  }
0x4d: {  	_ =	shalt  }
0x4e: {  	_ =	shalt  }
0x4f: {  	_ =	shalt  }
0x50: {  	_ =	shalt  }
0x51: {  	_ =	shalt  }
0x52: {  	_ =	shalt  }
0x53: {  	_ =	shalt  }
0x54: {  	_ =	shalt  }
0x55: {  	_ =	shalt  }
0x56: {  	_ =	shalt  }
0x57: {  	_ =	shalt  }
0x58: {  	_ =	shalt  }
0x59: {  	_ =	shalt  }
0x5a: {  	_ =	shalt  }
0x5b: {  	_ =	shalt  }
0x5c: {  	_ =	shalt  }
0x5d: {  	_ =	shalt  }
0x5e: {  	_ =	shalt  }
0x5f: {  	_ =	shalt  }
0x60: {  	_ =	shalt  }
0x61: {  	_ =	shalt  }
0x62: {  	_ =	shalt  }
0x63: {  	_ =	shalt  }
0x64: {  	_ =	shalt  }
0x65: {  	_ =	shalt  }
0x66: {  	_ =	shalt  }
0x67: {  	_ =	shalt  }
0x68: {  	_ =	shalt  }
0x69: {  	_ =	shalt  }
0x6a: {  	_ =	shalt  }
0x6b: {  	_ =	shalt  }
0x6c: {  	_ =	shalt  }
0x6d: {  	_ =	shalt  }
0x6e: {  	_ =	shalt  }
0x6f: {  	_ =	shalt  }
0x70: {  	_ =	shalt  }
0x71: {  	_ =	shalt  }
0x72: {  	_ =	shalt  }
0x73: {  	_ =	shalt  }
0x74: {  	_ =	shalt  }
0x75: {  	_ =	shalt  }
0x76: {  	_ =	shalt  }
0x77: {  	_ =	shalt  }
0x78: {  	_ =	shalt  }
0x79: {  	_ =	shalt  }
0x7a: {  	_ =	shalt  }
0x7b: {  	_ =	shalt  }
0x7c: {  	_ =	shalt  }
0x7d: {  	_ =	shalt  }
0x7e: {  	_ =	shalt  }
0x7f: {  	_ =	shalt  }
0x80: {  	_ =	shalt  }
0x81: {  	_ =	shalt  }
0x82: {  	_ =	shalt  }
0x83: {  	_ =	shalt  }
0x84: {  	_ =	shalt  }
0x85: {  	_ =	shalt  }
0x86: {  	_ =	shalt  }
0x87: {  	_ =	shalt  }
.Lfunc_end0:
.L_simem_size_0:
called_computation.2_lowered:
.L_overlay_start_0:
0x88: {  	s2 =	sld [smem:$0x3FD9]  }
0x89: {  	s3 =	sld [smem:$0x3FFE];
	_ =	sdelay $0x1  }
0x8a: {  	s1 =	srdreg.scid  }
0x8b: {  	s0 =	sand.u32 $0x1, s1  }
0x8c: {  	s16 =	sshll.u32 s0, $0xA;
	s2 =	sadd.s32 s3, s2  }
0x8d: {  	s2 =	sadd.s32 s2, s16  }
0x8e: {  	[smem:$0x3FC2] =	sst s2  }
0x8f: {  	_ = 	snop  }
0x90: {  	(tm) =	ssettm $0x1  }
0x91: {  	s17 =	sld [smem:$0x3FFB];
	_ =	sdelay $0x3  }
0x92: {  	_ =	strace s17  }
0x93: {  	s2 =	sld [smem:$0x3FFC];
	_ =	sdelay $0x3  }
0x94: {  	_ =	strace s2  }
0x95: {  	s2 =	sld [smem:$0x3FFD];
	_ =	sdelay $0x3  }
0x96: {  	_ =	strace s2  }
0x97: {  	_ =	strace $0x8FFFFFFF  }
0x98: {  	s18 =	sld [smem:$0x3FDB];
	_ =	sdelay $0x1  }
0x99: {  	s19 =	simm.s32 $_scs_section_size  }
0x9a: {  	s4 =	simm.s32 $_size__tile_overlayer_lowered;
	s5 =	simm.s32 $_tile_overlayer_lowered  }
0x9b: {  	s22 =	simm.s32 $0x1BFF;
	s21 =	sshll.u32 s5, $0x1;
	s2 =	sadd.s32 s19, s18  }
0x9c: {  	s6 =	simm.s32 $0x0;
	s20 =	sshll.u32 s4, $0x1;
	s4 =	sadd.s32 s21, s2  }
0x9d: {  	[timem:s6], [sflag:s22] =	dma.local [hbm:s4], s20  }
0x9e: {  	_ =	swait.ge [sflag:s22], s20  }
0x9f: {  	s3 =	ssub.s32 $0x0, s20;
	[sflag:s22] =	ssyncset.done $0x0  }
0xa0: {  	[sflag:s22] =	ssyncadd.s32 s3;
	_ =	sdelay $0x1  }
0xa1: {  	s23 =	simm.s32 $0x1B8B  }
0xa2: {  	_ =	swait.ge [sflag:s23], $0x1  }
0xa3: {  	[sflag:s23] =	ssyncset.done $0x0  }
0xa4: {  	s25 =	simm.s32 $0x1B8E;
	s24 =	sld [smem:$0x3FFE];
	[sflag:s23] =	ssyncadd.s32 $0xFFFFFFFF  }
0xa5: {  	s26 =	simm.s32 $execute0_lowered;
	[smem:$0x3FD2] =	sst s25  }
0xa6: {  	s4 =	sshll.u32 s26, $0x1;
	_ =	strace $0x8000004C;
	[dreg:$0x1] =	wrdreg $0xFFFFFFFF  }
0xa7: {  	s28 =	simm.s32 $_size_execute0_lowered;
	s2 =	sadd.s32 s2, s4;
	[dreg:$0x0] =	wrdreg $0x0  }
0xa8: {  	s4 =	sshll.u32 s28, $0x1;
	[dreg:$0x2] =	wrdreg s2  }
0xa9: {  	[dreg:$0x3] =	wrdreg s4  }
0xaa: {  	[dreg:$0x4] =	wrdreg $0xC0  }
0xab: {  	_ =	task [dreg:s6], $0x5FFFF  }
0xac: {  	[dreg:$0x1] =	wrdreg $0xFFFFFFFF  }
0xad: {  	[dreg:$0x0] =	wrdreg $0x60  }
0xae: {  	[dreg:$0x2] =	wrdreg s24  }
0xaf: {  	[dreg:$0x3] =	wrdreg $0x9  }
0xb0: {  	_ =	task.clear_ibuf [dreg:s6], $0x4FFFF;
	_ =	strace $0x9000004C  }
0xb1: {  	s29 =	simm.s32 $0x9;
	_ =	strace $0x8000004E  }
0xb2: {  	_ =	swait.ge [sflag:s29], $0x1  }
0xb3: {  	[sflag:s29] =	ssyncadd.s32 $0xFFFFFFFF  }
0xb4: {  	_ =	strace $0x9000004E  }
0xb5: {  	_ =	sfence  }
0xb6: {  	s30 =	sld [smem:$0x0];
	_ =	sdelay $0x2  }
0xb7: {  	s31 =	sshll.u32 s1, $0xD;
	s1 =	sshrl.u32 s1, $0x2  }
0xb8: {  	s3 =	sand.u32 $0x4000, s31;
	s1 =	sadd.s32 s1, s30  }
0xb9: {  	s0 =	sor.u32 s3, s0;
	s1 =	sshll.u32 s1, $0x11  }
0xba: {  	s0 =	sor.u32 s1, s0  }
0xbb: {  	s0 =	sadd.s32 $0x8F2B, s0  }
0xbc: {  	[sflag:s0] =	ssyncadd.remote.s32 $0x1  }
0xbd: {  	_ =	sfence.sel $0xFFFF  }
0xbe: {  	[dreg:$0x0] =	wrdreg $0xFFFFFFFF;
	(pc) =	sbr.abs _section_cstart, $3  }
0xbf: {  	[dreg:$0x1] =	wrdreg $0xFFFFFFFF  }
0xc0: {  	_ =	task.clear_ibuf [dreg:s6], $0x2FFFF;
	_ =	strace $0x9FFFFFFF  }
0xc1: {  	(tm) =	ssettm $0x7FFFFFFF  }
tec
execute0_lowered:
.L_overlay_start_1:
0x0: {  	(tag) =	ssettag $0x1  }
0x1: {  	s1 =	srdreg.scid  }
0x2: {  	s0 =	stileid.u32;
	s4 =	rddreg [dreg:$0x0];
	s2 =	simm.s32 $0x0  }
0x3: {  	s10 =	simm.s32 $0x4E20;
	s3 =	sand.u32 $0x1, s1;
	s5 =	sshll.u32 s0, $0x1  }
0x4: {  	s11 =	simm.s32 $0x7620;
	s1 =	rddreg [dreg:$0x1];
	s5 =	sor.u32 s3, s5  }
0x5: {  	s12 =	simm.s32 $0x0;
	[smem:$0x7FF] =	sst s2;
	s6 =	smul.u32 $0x2710, s5  }
0x6: {  	_ =	strace $0x8000004D;
	s7 =	ssub.s32 $0x2, s3;
	s3 =	sadd.s32 $0x15A00, s4  }
0x7: {  	s5 =	smul.u32 $0x500, s5;
	s8 =	sshrl.u32 s7, $0x1;
	s6 =	sshrl.u32 s6, $0x3  }
0x8: {  	s7 =	ssub.s32 s7, s8;
	s8 =	simm.s32 $0x1;
	s6 =	sadd.s32 s6, s4  }
0x9: {  	s9 =	sadd.s32 s5, s4;
	s7 =	smax.u32 s7, $0x1;
	s4 =	sadd.s32 $0x2000, s6  }
0xa: {  	v0 =	vimm.f32 $0.0e+00;
	s5 =	sadd.s32 $0xBC40, s6;
	s6 =	sadd.s32 $0x16000, s9;
	s9 =	simm.s32 $0x2710  }
.LBB2_1:
0xb: {  	[tilespmem:s2], [sflag:$0x1] =	stream.linear.gather [hbm4b:s4+s2], $0x2710, $0x38;
	[tilespmem:$0x9E20] =	vst v63  }
0xc: {  	_ =	swait.ge [sflag:s8], $0x2710  }
0xd: {  	[sflag:s8] =	ssyncset.done $0x0  }
0xe: {  	[sflag:s8] =	ssyncadd.s32 $0xFFFFD8F0  }
0xf: {  	[tilespmem:s9], [sflag:$0x1] =	stream.linear.gather [hbm4b:s5+s2], $0x2710, $0x38;
	[tilespmem:$0x9E20] =	vst v63  }
0x10: {  	_ =	swait.ge [sflag:s8], $0x2710  }
0x11: {  	[sflag:s8] =	ssyncset.done $0x0  }
0x12: {  	[sflag:s8] =	ssyncadd.s32 $0xFFFFD8F0  }
0x13: {  	[tilespmem:s10], [sflag:$0x1] =	stream.linear.gather [hbm4b:s3+s2], $0x2800, $0x38;
	[tilespmem:$0x9E20] =	vst v63  }
0x14: {  	_ =	swait.ge [sflag:s8], $0x2800  }
0x15: {  	[sflag:s8] =	ssyncset.done $0x0  }
0x16: {  	s13 =	simm.s32 $0x0;
	[sflag:s8] =	ssyncadd.s32 $0xFFFFD800  }
.LBB2_2:
0x17: {  	p0 =	sne.s32 s13, $0x9FC0  }
.Ltmp0:
0x18: {  	_ = 	snop;
	(pc) =	sbr.rel @p0 .LBB2_2-.Ltmp0, $3  }
0x19: {  	_ =	sdelay $0x1  }
0x1a: {  	s14 =	sshra.s32 s13, $0x2  }
0x1b: {  	s13 =	sadd.s32 $0x40, s13;
	[tilespmem:s14+$0x7620] =	vst v0  }
0x1c: {  	s14 =	simm.s32 $0x0;
	s13 =	simm.s32 $0x40  }
.LBB2_4:
0x1d: {  	p0 =	sne.s32 s13, $0x9C00;
	v1 =	vld [tilespmem:s14+$0x0];
	_ =	sdelay $0x5  }
0x1e: {  	v2 =	vld [tilespmem:s14+$0x2710];
	_ =	sdelay $0x1  }
0x1f: {  	v1 =	vld.idx.msk [tilespmem:v1+s10+$0x0], $0xffff;
	_ =	sdelay $0x1  }
.Ltmp1:
0x20: {  	(pc) =	sbr.rel @p0 .LBB2_4-.Ltmp1, $2  }
0x21: {  	_ =	sdelay $0x2  }
0x22: {  	s14 =	sshra.s32 s13, $0x2;
	s13 =	sadd.s32 $0x40, s13;
	[tilespmem:v2+s11+$0x0] =	vst.idx.add.f32.msk $0xffff, v1  }
0x23: {  	v1 =	vld [tilespmem:s14+$0x0];
	_ =	sdelay $0x4  }
0x24: {  	v2 =	vld [tilespmem:s14+$0x2710];
	_ =	sdelay $0x2  }
0x25: {  	v1 =	vld.idx.msk [tilespmem:v1+s10+$0x0], $0xffff;
	_ =	sdelay $0x2  }
0x26: {  	s12 =	sadd.s32 $0x1, s12  }
0x27: {  	p0 =	sne.s32 s12, s7  }
.Ltmp2:
0x28: {  	[tilespmem:v2+s11+$0x0] =	vst.idx.add.f32.msk $0xffff, v1;
	(pc) =	sbr.rel @p0 .LBB2_1-.Ltmp2, $4  }
0x29: {  	[hbm4b:s6+s2] =	stream.linear.scatter [tilespmem:s11], [sflag:$0x1], $0x2800, $0x38;
	[tilespmem:$0x9E20] =	vst v63  }
0x2a: {  	_ =	swait.ge [sflag:s8], $0x2800  }
0x2b: {  	[sflag:s8] =	ssyncset.done $0x0  }
0x2c: {  	[sflag:s8] =	ssyncadd.s32 $0xFFFFD800  }
0x2d: {  	_ =	sfence.sel $0x180000  }
0x2e: {  	[bflag:$0x0] =	sbarrier.arrive $0xFFFF  }
0x2f: {  	p0 =	sne.s32 s0, $0x0;
	_ =	strace $0x9000004D  }
0x30: {  	s0 =	sadd.s32 @!p0 $0x100000, s1;
	[bflag:$0x2] =	sbarrier.arrive $0xFFFF  }
0x31: {  	[sflag:s0] =	ssyncadd.tile.s32 @!p0 $0x1;
	_ =	shalt  }
.Lfunc_end2:
_tile_overlayer_lowered:
.L_overlay_start_2:
0x32: {  	(tag) =	ssettag $0x2  }
0x33: {  	s0 =	rddreg [dreg:$0x0];
	s2 =	stileid.u32  }
0x34: {  	s1 =	rddreg [dreg:$0x1];
	p0 =	sne.s32 s2, $0x0  }
0x35: {  	s3 =	rddreg [dreg:$0x2];
	[bflag:$0x3] =	sbarrier.arrive $0xFFFF;
	s2 =	simm.s32 @!p0 $0x1C01  }
0x36: {  	[timem:s3], [sflag:s2] =	dma.local @!p0 [hbm:s0], s1  }
0x37: {  	s0 =	simm.s32 @!p0 $0x1  }
0x38: {  	_ =	swait.ge @!p0 [sflag:s0], s1  }
0x39: {  	s1 =	ssub.s32 @!p0 $0x0, s1;
	[sflag:s0] =	ssyncset.done @!p0 $0x0  }
0x3a: {  	[sflag:s0] =	ssyncadd.s32 @!p0 s1  }
0x3b: {  	[bflag:$0x3] =	sbarrier.arrive $0xFFFF  }
0x3c: {  	_ =	shalt  }

// kernel: kernel.8.cloned.1.call-start
scs
__scs_entry_jumppad:
0x0: {  	(pc) =	sbr.rel $0x88, $3  }
0x1: {  	(tag) =	ssettag $0x0;
	lr =	simm.s32 $0x1  }
0x2: {  	[smem:$0x3F9B] =	sst lr;
	_ =	strace $0xD0000000  }
0x3: {  	_ = 	snop  }
0x4: {  	_ = 	snop  }
0x5: {  	_ = 	snop  }
0x6: {  	_ = 	snop  }
0x7: {  	_ = 	snop  }
__scs_overlays_trampoline_lowered:
0x8: {  	[smem:$0x3FAA] =	sst s0  }
0x9: {  	[smem:$0x3FAB] =	sst s1  }
0xa: {  	[smem:$0x3FAC] =	sst s2  }
0xb: {  	[smem:$0x3FAD] =	sst s3  }
0xc: {  	[smem:$0x3FAE] =	sst s4  }
0xd: {  	[smem:$0x3FAF] =	sst s5  }
0xe: {  	[smem:$0x3FB0] =	sst s6  }
0xf: {  	[smem:$0x3FB1] =	sst s7  }
0x10: {  	[smem:$0x3FB2] =	sst s8  }
0x11: {  	[smem:$0x3FB3] =	sst s9;
	s0 =	simm.s32 @!p0 $0x0  }
0x12: {  	s1 =	sld [smem:$0x3F99];
	s0 =	simm.s32 @p0 $0x1  }
0x13: {  	[smem:$0x3FB4] =	sst s0;
	s0 =	simm.s32 @!p1 $0x0  }
0x14: {  	s2 =	sld [smem:$0x3F98];
	s0 =	simm.s32 @p1 $0x1  }
0x15: {  	[smem:$0x3FB5] =	sst s0;
	s0 =	simm.s32 @!p2 $0x0  }
0x16: {  	s3 =	sld [smem:$0x3FDB];
	s0 =	simm.s32 @p2 $0x1  }
0x17: {  	s4 =	simm.s32 $0x1BF5;
	[smem:$0x3FB7] =	sst s0  }
0x18: {  	s0 =	sld [smem:$0x3F9A];
	_ =	swait.ge [sflag:s4], $0x0  }
0x19: {  	s7 =	sld [smem:$0x3F9B]  }
0x1a: {  	s8 =	sadd.s32 $0xFFFFE003, lr  }
0x1b: {  	s9 =	sadd.s32 $0xFFFFFEF7, lr;
	s5 =	simm.s32 $0xFFFFFFFF;
	p2 =	slt.u32 s8, $0xFFFFF086  }
0x1c: {  	p1 =	slt.u32 s9, $0xF7A;
	s5 =	simm.s32 @!p2 $0x0  }
0x1d: {  	s5 =	simm.s32 @p1 $0x1;
	p0 =	seq.s32 s7, s2  }
0x1e: {  	s7 =	smul.u32 @!p0 $0xF7A, s2;
	p2 =	seq.s32 @!p0 s5, $0x0  }
0x1f: {  	s9 =	smul.u32 $0xF7A, s1;
	s8 =	simm.s32 @!p0 $0x1BF5;
	p2 =	por !p2, p0  }
0x20: {  	[sflag:s8] =	ssyncset.s32 @!p0 $0xFFFFF086;
	s6 =	sadd.s32 @!p0 s3, s7;
	s7 =	simm.s32 @!p0 $0x108  }
0x21: {  	s3 =	sadd.s32 s3, s9;
	s6 =	sadd.s32 @!p0 $0x88, s6;
	s7 =	simm.s32 @p2 $0x1082  }
0x22: {  	[simem:s7], [sflag:s8] =	dma.local @!p0 [hbm:s6], $0xF7A  }
0x23: {  	s9 =	sor.u32 $0xD0000000, s2;
	s6 =	simm.s32 $0x108;
	_ =	swait.ge @!p0 [sflag:s8], $0x0  }
0x24: {  	s3 =	sadd.s32 $0x88, s3;
	s6 =	simm.s32 @!p1 $0x1082;
	[sflag:s4] =	ssyncset.s32 $0xFFFFF086  }
0x25: {  	[simem:s6], [sflag:s4] =	dma.local [hbm:s3], $0xF7A  }
0x26: {  	[smem:$0x3F9B] =	sst s1;
	(tag) =	ssettag s2;
	_ =	strace s9  }
0x27: {  	s1 =	sld [smem:$0x3FAB]  }
0x28: {  	s2 =	sld [smem:$0x3FAC]  }
0x29: {  	s4 =	sld [smem:$0x3FAE]  }
0x2a: {  	p0 =	seq.s32 s5, $0x0;
	s5 =	sld [smem:$0x3FAF]  }
0x2b: {  	s6 =	sld [smem:$0x3FB0]  }
0x2c: {  	s7 =	sld [smem:$0x3FB1]  }
0x2d: {  	s3 =	simm.s32 $0x108;
	s8 =	sld [smem:$0x3FB2]  }
0x2e: {  	s3 =	simm.s32 @!p0 $0x1082;
	s9 =	sld [smem:$0x3FB3]  }
0x2f: {  	lr =	sadd.s32 s0, s3;
	s0 =	sld [smem:$0x3FAA]  }
0x30: {  	s3 =	sld [smem:$0x3FAD]  }
0x31: {  	[smem:$0x3FB6] =	sst s10  }
0x32: {  	s10 =	sld [smem:$0x3FB4];
	_ =	sdelay $0x3  }
0x33: {  	p0 =	seq.s32 s10, $0x1;
	s10 =	sld [smem:$0x3FB6];
	_ =	sdelay $0x3  }
0x34: {  	[smem:$0x3FB6] =	sst s10  }
0x35: {  	s10 =	sld [smem:$0x3FB5];
	_ =	sdelay $0x3  }
0x36: {  	p1 =	seq.s32 s10, $0x1;
	s10 =	sld [smem:$0x3FB6];
	_ =	sdelay $0x3  }
0x37: {  	[smem:$0x3FB6] =	sst s10  }
0x38: {  	s10 =	sld [smem:$0x3FB7]  }
0x39: {  	_ = 	snop;
	(pc) =	sbr.ind lr, $3  }
0x3a: {  	_ = 	snop  }
0x3b: {  	_ = 	snop  }
0x3c: {  	p2 =	seq.s32 s10, $0x1;
	s10 =	sld [smem:$0x3FB6]  }
0x3d: {  	_ =	shalt  }
0x3e: {  	_ =	shalt  }
0x3f: {  	_ =	shalt  }
0x40: {  	_ =	shalt  }
0x41: {  	_ =	shalt  }
0x42: {  	_ =	shalt  }
0x43: {  	_ =	shalt  }
0x44: {  	_ =	shalt  }
0x45: {  	_ =	shalt  }
0x46: {  	_ =	shalt  }
0x47: {  	_ =	shalt  }
0x48: {  	_ =	shalt  }
0x49: {  	_ =	shalt  }
0x4a: {  	_ =	shalt  }
0x4b: {  	_ =	shalt  }
0x4c: {  	_ =	shalt  }
0x4d: {  	_ =	shalt  }
0x4e: {  	_ =	shalt  }
0x4f: {  	_ =	shalt  }
0x50: {  	_ =	shalt  }
0x51: {  	_ =	shalt  }
0x52: {  	_ =	shalt  }
0x53: {  	_ =	shalt  }
0x54: {  	_ =	shalt  }
0x55: {  	_ =	shalt  }
0x56: {  	_ =	shalt  }
0x57: {  	_ =	shalt  }
0x58: {  	_ =	shalt  }
0x59: {  	_ =	shalt  }
0x5a: {  	_ =	shalt  }
0x5b: {  	_ =	shalt  }
0x5c: {  	_ =	shalt  }
0x5d: {  	_ =	shalt  }
0x5e: {  	_ =	shalt  }
0x5f: {  	_ =	shalt  }
0x60: {  	_ =	shalt  }
0x61: {  	_ =	shalt  }
0x62: {  	_ =	shalt  }
0x63: {  	_ =	shalt  }
0x64: {  	_ =	shalt  }
0x65: {  	_ =	shalt  }
0x66: {  	_ =	shalt  }
0x67: {  	_ =	shalt  }
0x68: {  	_ =	shalt  }
0x69: {  	_ =	shalt  }
0x6a: {  	_ =	shalt  }
0x6b: {  	_ =	shalt  }
0x6c: {  	_ =	shalt  }
0x6d: {  	_ =	shalt  }
0x6e: {  	_ =	shalt  }
0x6f: {  	_ =	shalt  }
0x70: {  	_ =	shalt  }
0x71: {  	_ =	shalt  }
0x72: {  	_ =	shalt  }
0x73: {  	_ =	shalt  }
0x74: {  	_ =	shalt  }
0x75: {  	_ =	shalt  }
0x76: {  	_ =	shalt  }
0x77: {  	_ =	shalt  }
0x78: {  	_ =	shalt  }
0x79: {  	_ =	shalt  }
0x7a: {  	_ =	shalt  }
0x7b: {  	_ =	shalt  }
0x7c: {  	_ =	shalt  }
0x7d: {  	_ =	shalt  }
0x7e: {  	_ =	shalt  }
0x7f: {  	_ =	shalt  }
0x80: {  	_ =	shalt  }
0x81: {  	_ =	shalt  }
0x82: {  	_ =	shalt  }
0x83: {  	_ =	shalt  }
0x84: {  	_ =	shalt  }
0x85: {  	_ =	shalt  }
0x86: {  	_ =	shalt  }
0x87: {  	_ =	shalt  }
.Lfunc_end0:
.L_simem_size_0:
called_computation_lowered:
.L_overlay_start_0:
0x88: {  	s2 =	sld [smem:$0x3FD9]  }
0x89: {  	s3 =	sld [smem:$0x3FFE];
	_ =	sdelay $0x1  }
0x8a: {  	s1 =	srdreg.scid  }
0x8b: {  	s0 =	sand.u32 $0x1, s1  }
0x8c: {  	s16 =	sshll.u32 s0, $0xA;
	s2 =	sadd.s32 s3, s2  }
0x8d: {  	s2 =	sadd.s32 s2, s16  }
0x8e: {  	[smem:$0x3FC2] =	sst s2  }
0x8f: {  	_ = 	snop  }
0x90: {  	(tm) =	ssettm $0x1  }
0x91: {  	s17 =	sld [smem:$0x3FFB];
	_ =	sdelay $0x3  }
0x92: {  	_ =	strace s17  }
0x93: {  	s2 =	sld [smem:$0x3FFC];
	_ =	sdelay $0x3  }
0x94: {  	_ =	strace s2  }
0x95: {  	s2 =	sld [smem:$0x3FFD];
	_ =	sdelay $0x3  }
0x96: {  	_ =	strace s2  }
0x97: {  	_ =	strace $0x8FFFFFFF  }
0x98: {  	s18 =	sld [smem:$0x3FDB];
	_ =	sdelay $0x1  }
0x99: {  	s19 =	simm.s32 $_scs_section_size  }
0x9a: {  	s4 =	simm.s32 $_size__tile_overlayer_lowered;
	s5 =	simm.s32 $_tile_overlayer_lowered  }
0x9b: {  	s22 =	simm.s32 $0x1BFF;
	s21 =	sshll.u32 s5, $0x1;
	s2 =	sadd.s32 s19, s18  }
0x9c: {  	s6 =	simm.s32 $0x0;
	s20 =	sshll.u32 s4, $0x1;
	s4 =	sadd.s32 s21, s2  }
0x9d: {  	[timem:s6], [sflag:s22] =	dma.local [hbm:s4], s20  }
0x9e: {  	_ =	swait.ge [sflag:s22], s20  }
0x9f: {  	s3 =	ssub.s32 $0x0, s20;
	[sflag:s22] =	ssyncset.done $0x0  }
0xa0: {  	[sflag:s22] =	ssyncadd.s32 s3;
	_ =	sdelay $0x1  }
0xa1: {  	s23 =	simm.s32 $0x1B8B  }
0xa2: {  	_ =	swait.ge [sflag:s23], $0x1  }
0xa3: {  	[sflag:s23] =	ssyncset.done $0x0  }
0xa4: {  	s25 =	simm.s32 $0x1B8E;
	s24 =	sld [smem:$0x3FFE];
	[sflag:s23] =	ssyncadd.s32 $0xFFFFFFFF  }
0xa5: {  	s26 =	simm.s32 $execute0_lowered;
	[smem:$0x3FD2] =	sst s25  }
0xa6: {  	s4 =	sshll.u32 s26, $0x1;
	_ =	strace $0x80000046;
	[dreg:$0x1] =	wrdreg $0xFFFFFFFF  }
0xa7: {  	s28 =	simm.s32 $_size_execute0_lowered;
	s2 =	sadd.s32 s2, s4;
	[dreg:$0x0] =	wrdreg $0x0  }
0xa8: {  	s4 =	sshll.u32 s28, $0x1;
	[dreg:$0x2] =	wrdreg s2  }
0xa9: {  	[dreg:$0x3] =	wrdreg s4  }
0xaa: {  	[dreg:$0x4] =	wrdreg $0xC0  }
0xab: {  	_ =	task [dreg:s6], $0x5FFFF  }
0xac: {  	[dreg:$0x1] =	wrdreg $0xFFFFFFFF  }
0xad: {  	[dreg:$0x0] =	wrdreg $0x60  }
0xae: {  	[dreg:$0x2] =	wrdreg s24  }
0xaf: {  	[dreg:$0x3] =	wrdreg $0x9  }
0xb0: {  	_ =	task.clear_ibuf [dreg:s6], $0x4FFFF;
	_ =	strace $0x90000046  }
0xb1: {  	s29 =	simm.s32 $0x9;
	_ =	strace $0x80000048  }
0xb2: {  	_ =	swait.ge [sflag:s29], $0x1  }
0xb3: {  	[sflag:s29] =	ssyncadd.s32 $0xFFFFFFFF  }
0xb4: {  	_ =	strace $0x90000048  }
0xb5: {  	_ =	sfence  }
0xb6: {  	s30 =	sld [smem:$0x0];
	_ =	sdelay $0x2  }
0xb7: {  	s31 =	sshll.u32 s1, $0xD;
	s1 =	sshrl.u32 s1, $0x2  }
0xb8: {  	s3 =	sand.u32 $0x4000, s31;
	s1 =	sadd.s32 s1, s30  }
0xb9: {  	s0 =	sor.u32 s3, s0;
	s1 =	sshll.u32 s1, $0x11  }
0xba: {  	s0 =	sor.u32 s1, s0  }
0xbb: {  	s0 =	sadd.s32 $0x8F2B, s0  }
0xbc: {  	[sflag:s0] =	ssyncadd.remote.s32 $0x1  }
0xbd: {  	_ =	sfence.sel $0xFFFF  }
0xbe: {  	[dreg:$0x0] =	wrdreg $0xFFFFFFFF;
	(pc) =	sbr.abs _section_cstart, $3  }
0xbf: {  	[dreg:$0x1] =	wrdreg $0xFFFFFFFF  }
0xc0: {  	_ =	task.clear_ibuf [dreg:s6], $0x2FFFF;
	_ =	strace $0x9FFFFFFF  }
0xc1: {  	(tm) =	ssettm $0x7FFFFFFF  }
tec
execute0_lowered:
.L_overlay_start_1:
0x0: {  	(tag) =	ssettag $0x1  }
0x1: {  	s1 =	srdreg.scid;
	s0 =	stileid.u32  }
0x2: {  	s3 =	sand.u32 $0x1, s1;
	s30 =	sshll.u32 s0, $0x1  }
0x3: {  	s4 =	rddreg [dreg:$0x0];
	s5 =	sor.u32 s3, s30  }
0x4: {  	s2 =	simm.s32 $0x0;
	s8 =	simm.s32 $0x0;
	s6 =	smul.u32 $0x2710, s5  }
0x5: {  	[smem:$0x7FF] =	sst s2;
	s3 =	ssub.s32 $0x2, s3;
	s5 =	smul.u32 $0x500, s5  }
0x6: {  	s1 =	rddreg [dreg:$0x1];
	_ =	strace $0x80000047;
	s7 =	sshrl.u32 s3, $0x1  }
0x7: {  	s7 =	ssub.s32 s3, s7;
	s6 =	sshrl.u32 s6, $0x3;
	s5 =	sadd.s32 s5, s4  }
0x8: {  	s31 =	sadd.s32 s4, s6;
	s4 =	sadd.s32 $0x15A00, s5;
	s5 =	smax.u32 s7, $0x1  }
0x9: {  	v0 =	vimm.f32 $0.0e+00;
	v1 =	vimm.f32 $1.000000000e+00;
	s6 =	simm.s32 $0x1;
	s7 =	simm.s32 $0x2710;
	s3 =	sadd.s32 $0xBC40, s31  }
.LBB2_1:
0xa: {  	[tilespmem:s2], [sflag:$0x1] =	stream.linear.gather [hbm4b:s3+s2], $0x2710, $0x38;
	[tilespmem:$0x4F10] =	vst v63  }
0xb: {  	_ =	swait.ge [sflag:s6], $0x2710  }
0xc: {  	[sflag:s6] =	ssyncset.done $0x0  }
0xd: {  	s9 =	simm.s32 $0x0;
	[sflag:s6] =	ssyncadd.s32 $0xFFFFD8F0  }
.LBB2_2:
0xe: {  	p0 =	sne.s32 s9, $0x9FC0  }
.Ltmp0:
0xf: {  	_ = 	snop;
	(pc) =	sbr.rel @p0 .LBB2_2-.Ltmp0, $3  }
0x10: {  	_ =	sdelay $0x1  }
0x11: {  	s10 =	sshra.s32 s9, $0x2  }
0x12: {  	s9 =	sadd.s32 $0x40, s9;
	[tilespmem:s10+$0x2710] =	vst v0  }
0x13: {  	s10 =	simm.s32 $0x0;
	s9 =	simm.s32 $0x40  }
.LBB2_4:
0x14: {  	p0 =	sne.s32 s9, $0x9C00;
	v2 =	vld [tilespmem:s10+$0x0];
	_ =	sdelay $0x3  }
.Ltmp1:
0x15: {  	(pc) =	sbr.rel @p0 .LBB2_4-.Ltmp1, $2  }
0x16: {  	_ =	sdelay $0x2  }
0x17: {  	s10 =	sshra.s32 s9, $0x2;
	s9 =	sadd.s32 $0x40, s9;
	[tilespmem:v2+s7+$0x0] =	vst.idx.add.f32.msk $0xffff, v1  }
0x18: {  	v2 =	vld [tilespmem:s10+$0x0];
	_ =	sdelay $0x5  }
0x19: {  	s8 =	sadd.s32 $0x1, s8  }
0x1a: {  	p0 =	sne.s32 s8, s5  }
.Ltmp2:
0x1b: {  	[tilespmem:v2+s7+$0x0] =	vst.idx.add.f32.msk $0xffff, v1;
	(pc) =	sbr.rel @p0 .LBB2_1-.Ltmp2, $4  }
0x1c: {  	[hbm4b:s4+s2] =	stream.linear.scatter [tilespmem:s7], [sflag:$0x1], $0x2800, $0x38;
	[tilespmem:$0x4F10] =	vst v63  }
0x1d: {  	_ =	swait.ge [sflag:s6], $0x2800  }
0x1e: {  	[sflag:s6] =	ssyncset.done $0x0  }
0x1f: {  	[sflag:s6] =	ssyncadd.s32 $0xFFFFD800  }
0x20: {  	_ =	sfence.sel $0x180000  }
0x21: {  	[bflag:$0x0] =	sbarrier.arrive $0xFFFF  }
0x22: {  	p0 =	sne.s32 s0, $0x0;
	_ =	strace $0x90000047  }
0x23: {  	s0 =	sadd.s32 @!p0 $0x100000, s1;
	[bflag:$0x2] =	sbarrier.arrive $0xFFFF  }
0x24: {  	[sflag:s0] =	ssyncadd.tile.s32 @!p0 $0x1;
	_ =	shalt  }
.Lfunc_end2:
_tile_overlayer_lowered:
.L_overlay_start_2:
0x25: {  	(tag) =	ssettag $0x2  }
0x26: {  	s0 =	rddreg [dreg:$0x0];
	s2 =	stileid.u32  }
0x27: {  	s1 =	rddreg [dreg:$0x1];
	p0 =	sne.s32 s2, $0x0  }
0x28: {  	s3 =	rddreg [dreg:$0x2];
	[bflag:$0x3] =	sbarrier.arrive $0xFFFF;
	s2 =	simm.s32 @!p0 $0x1C01  }
0x29: {  	[timem:s3], [sflag:s2] =	dma.local @!p0 [hbm:s0], s1  }
0x2a: {  	s0 =	simm.s32 @!p0 $0x1  }
0x2b: {  	_ =	swait.ge @!p0 [sflag:s0], s1  }
0x2c: {  	s1 =	ssub.s32 @!p0 $0x0, s1;
	[sflag:s0] =	ssyncset.done @!p0 $0x0  }
0x2d: {  	[sflag:s0] =	ssyncadd.s32 @!p0 s1  }
0x2e: {  	[bflag:$0x3] =	sbarrier.arrive $0xFFFF  }
0x2f: {  	_ =	shalt  }

</sc_bundles>
